<compile_context>
chip_gen: v7x
topology: tpu7x:2x2x1
jax: 0.10.2.dev20260603
libtpu: 0.0.44.dev20260713+nightly
codegen_flags: <defaults>
</compile_context>

<pallas_src>
import functools

import jax
import jax.numpy as jnp
import numpy as np
from jax import lax
from jax.experimental import pallas as pl
from jax.experimental.pallas import tpu as pltpu
from jax.experimental.pallas import tpu_sc as plsc

S = 7
B = 2
C = 20
NEL = B * 5 + C
BATCH = 1024
NBOX = 10
NCELL = S * S
CELLW = np.float32(1.0 / 7.0)
LN2 = np.float32(0.6931471805599453)

NC, NS = 2, 16
NW = NC * NS
EX_W = BATCH // NW
NG = (NBOX * EX_W) // 16


def _ln(v):
    bits = lax.bitcast_convert_type(v, jnp.int32)
    e = ((bits >> 23) & 0xFF) - 126
    m = lax.bitcast_convert_type((bits & 0x007FFFFF) | 0x3F000000, jnp.float32)
    z = (m - 1.0) / (m + 1.0)
    z2 = z * z
    p = 1.0 + z2 * (1.0 / 3.0 + z2 * (1.0 / 5.0 + z2 * (1.0 / 7.0 + z2 * (1.0 / 9.0))))
    return e.astype(jnp.float32) * LN2 + 2.0 * z * p


def _iou(a, b):
    ltx = jnp.maximum(a[0], b[0])
    lty = jnp.maximum(a[1], b[1])
    rbx = jnp.minimum(a[2], b[2])
    rby = jnp.minimum(a[3], b[3])
    iw = jnp.maximum(rbx - ltx, 0.0)
    ih = jnp.maximum(rby - lty, 0.0)
    inter = iw * ih
    area_a = (a[2] - a[0]) * (a[3] - a[1])
    area_b = (b[2] - b[0]) * (b[3] - b[1])
    return inter / (area_a + area_b - inter)


def _pf(cx, cy, w, h):
    return (cx - w / 2.0, cy - h / 2.0, cx + w / 2.0, cy + h / 2.0)


def _sc_body(pred_hbm, targ_hbm, parts_hbm,
             t_v, winner_v, cellloc_v, dx_v, dy_v, wsx_v, wsy_v,
             slab_v, part_v, sem, sem2):
    wid = lax.axis_index("s") * NC + lax.axis_index("c")
    base_ex = wid * EX_W
    iota = lax.iota(jnp.int32, 16)

    def tdma(j, carry):
        i = j % NBOX
        k = j // NBOX
        off = pl.multiple_of(j * EX_W, 8)
        pltpu.async_copy(
            targ_hbm.at[i, k, pl.ds(pl.multiple_of(base_ex, 8), EX_W)],
            t_v.at[pl.ds(off, EX_W)], sem2)
        return carry

    lax.fori_loop(0, 4 * NBOX, tdma, 0)

    slab_dma = pltpu.async_copy(pred_hbm.at[pl.ds(base_ex, EX_W)], slab_v, sem)

    pltpu.make_async_copy(
        pred_hbm.at[0, pl.ds(0, 4 * NBOX * EX_W)], t_v, sem2).wait()

    def enc(g, carry):
        i = g // 2
        ex = (g % 2) * 16 + iota
        gi = jnp.full((16,), g, jnp.int32)
        x1 = plsc.load_gather(t_v, [(0 * NBOX + i) * EX_W + ex])
        y1 = plsc.load_gather(t_v, [(1 * NBOX + i) * EX_W + ex])
        x2 = plsc.load_gather(t_v, [(2 * NBOX + i) * EX_W + ex])
        y2 = plsc.load_gather(t_v, [(3 * NBOX + i) * EX_W + ex])
        cx = (x2 + x1) / 2.0
        cy = (y2 + y1) / 2.0
        qx = cx / CELLW
        qy = cy / CELLW
        tfx = qx.astype(jnp.int32).astype(jnp.float32)
        tfy = qy.astype(jnp.int32).astype(jnp.float32)
        ix = jnp.where(qx > tfx, tfx + 1.0, tfx) - 1.0
        iy = jnp.where(qy > tfy, tfy + 1.0, tfy) - 1.0
        cell = iy.astype(jnp.int32) * S + ix.astype(jnp.int32)
        cellloc = ex * NCELL + cell
        plsc.store_scatter(cellloc_v, [gi, iota], cellloc)
        plsc.store_scatter(dx_v, [gi, iota], (cx - ix * CELLW) / CELLW)
        plsc.store_scatter(dy_v, [gi, iota], (cy - iy * CELLW) / CELLW)
        plsc.store_scatter(wsx_v, [gi, iota], (x2 - x1) * 7.0)
        plsc.store_scatter(wsy_v, [gi, iota], (y2 - y1) * 7.0)
        plsc.store_scatter(winner_v, [cellloc], jnp.full((16,), i, jnp.int32))
        return carry

    lax.fori_loop(0, NG, enc, 0)

    slab_dma.wait()

    def group(g, acc):
        a_cls, a_con, a_loc, a_cnt, a_nm = acc
        i_s = g // 2
        gi = jnp.full((16,), g, jnp.int32)
        exl = (g % 2) * 16 + iota
        dx = plsc.load_gather(dx_v, [gi, iota])
        dy = plsc.load_gather(dy_v, [gi, iota])
        wsx = plsc.load_gather(wsx_v, [gi, iota])
        wsy = plsc.load_gather(wsy_v, [gi, iota])
        cl = plsc.load_gather(cellloc_v, [gi, iota])
        win = plsc.load_gather(winner_v, [cl])
        av = jnp.where(win == i_s, 1.0, 0.0)
        pbase = (cl - exl * NCELL) * NEL
        p = [plsc.load_gather(slab_v, [exl, pbase + e]) for e in range(NEL)]

        a0 = _pf(p[0], p[1], p[2], p[3])
        a1 = _pf(p[5], p[6], p[7], p[8])
        b0 = _pf(dx, dy, wsx, wsy)
        zero = jnp.zeros((16,), jnp.float32)
        b1 = _pf(zero, zero, dx, dy)
        iou00 = _iou(a0, b0)
        iou10 = _iou(a1, b0)
        iou01 = _iou(a0, b1)
        iou11 = _iou(a1, b1)
        m0 = (iou10 > iou00) | (jnp.isnan(iou10) & ~jnp.isnan(iou00))
        m1 = (iou11 > iou01) | (jnp.isnan(iou11) & ~jnp.isnan(iou01))
        w0 = jnp.where(~m0 | ~m1, av, 0.0)
        w1 = jnp.where(m0 | m1, av, 0.0)

        def bce(x, z):
            return jnp.maximum(x, 0.0) - x * z + _ln(1.0 + jnp.exp(-jnp.abs(x)))

        def sq(x):
            return x * x

        contain = w0 * bce(p[4], jnp.ones((16,), jnp.float32)) + w1 * bce(p[9], wsx)
        loc = (w0 * (sq(p[0] - dx) + sq(p[1] - dy)
                     + sq(p[2] - wsx) + sq(p[3] - wsy))
               + w1 * (sq(p[5]) + sq(p[6])
                       + sq(p[7] - dx) + sq(p[8] - dy)))

        cm = p[10]
        for e in range(11, NEL):
            cm = jnp.maximum(cm, p[e])
        ssum = jnp.exp(p[10] - cm)
        for e in range(11, NEL):
            ssum = ssum + jnp.exp(p[e] - cm)
        lse = _ln(ssum)
        ct = wsy.astype(jnp.int32)
        picked = jnp.where(ct == 0, p[10], jnp.where(ct == 1, p[11], p[12])) - cm
        cls_c = av * (lse - picked)

        return (a_cls + cls_c, a_con + contain, a_loc + loc,
                a_cnt + (w0 + w1), a_nm + av)

    z16 = jnp.zeros((16,), jnp.float32)
    accs = lax.fori_loop(0, NG, group, (z16, z16, z16, z16, z16))
    for k in range(5):
        part_v[k, :] = accs[k]
    pltpu.sync_copy(part_v, parts_hbm.at[wid])


def _combine_body(x_ref, o_ref):
    x = x_ref[...]
    s_cls = jnp.sum(x[:, 0, :])
    s_con = jnp.sum(x[:, 1, :])
    s_loc = jnp.sum(x[:, 2, :])
    s_cnt = jnp.sum(x[:, 3, :])
    s_nm = jnp.sum(x[:, 4, :])
    o_ref[0, 0] = (s_cls / s_nm + s_con / s_cnt
                   + 5.0 * s_loc / (2.0 * s_cnt))


@jax.jit
def kernel(prediction, target):
    targ_p = jnp.transpose(target, (1, 2, 0))
    sc = functools.partial(
        pl.kernel,
        out_type=jax.ShapeDtypeStruct((NW, 5, 16), jnp.float32),
        mesh=plsc.VectorSubcoreMesh(
            core_axis_name="c", subcore_axis_name="s",
            num_cores=NC, num_subcores=NS),
        compiler_params=pltpu.CompilerParams(needs_layout_passes=False),
        scratch_types=[
            pltpu.VMEM((4 * NBOX * EX_W,), jnp.float32),
            pltpu.VMEM((EX_W * NCELL,), jnp.int32),
            pltpu.VMEM((NG, 16), jnp.int32),
            pltpu.VMEM((NG, 16), jnp.float32),
            pltpu.VMEM((NG, 16), jnp.float32),
            pltpu.VMEM((NG, 16), jnp.float32),
            pltpu.VMEM((NG, 16), jnp.float32),
            pltpu.VMEM((EX_W, NCELL * NEL), jnp.float32),
            pltpu.VMEM((5, 16), jnp.float32),
            pltpu.SemaphoreType.DMA,
            pltpu.SemaphoreType.DMA,
        ],
    )(_sc_body)
    parts = sc(prediction, targ_p)

    loss2d = pl.pallas_call(
        _combine_body,
        out_shape=jax.ShapeDtypeStruct((1, 1), jnp.float32),
        out_specs=pl.BlockSpec(memory_space=pltpu.SMEM),
    )(parts)
    return loss2d[0, 0]

# --- scband reference (transcript-rebuilt; emitter-appended) ---
"""Pipeline reference for scband-yolo-loss-31147102830917 (READ-ONLY COPY).

The authoritative reference and input builder live on the scoring server;
editing this copy changes nothing except your own understanding.
"""

import jax, jax.numpy as jnp
import numpy as np
from jax import lax

S, B, C = 7, 2, 20
L_COORD, L_NOOBJ = 5.0, 0.5
BATCH, NBOX = 1024, 10
NEL = B * 5 + C


def encode_np(labels):
    N = labels.shape[0]
    nbox = labels.shape[1]
    cell = 1.0 / S
    boxes = labels[:, :, :4]
    wh = boxes[:, :, 2:] - boxes[:, :, :2]
    cxcy = (boxes[:, :, 2:] + boxes[:, :, :2]) / 2.0
    ij = jnp.ceil(cxcy / cell) - 1
    r = ij[:, :, 1].astype(jnp.int32)
    c = ij[:, :, 0].astype(jnp.int32)
    xy = ij * cell
    dxy = ((cxcy - xy) / cell).astype(jnp.float32)
    whs = (wh * S).astype(jnp.float32)
    upd = jnp.zeros((N, nbox, NEL), jnp.float32)
    for k in range(B):
        upd = upd.at[:, :, 4 + S * k].set(1.0)
    upd = upd.at[:, :, 10].set(jnp.trunc(labels[:, :, 4]).astype(jnp.float32))
    for k in range(B):
        s = S * k
        upd = upd.at[:, :, s + 2:s + 4].set(whs)
        upd = upd.at[:, :, s:s + 2].set(dxy)

    def body(i, t):
        return t.at[jnp.arange(N), r[:, i], c[:, i]].set(upd[:, i])

    return lax.fori_loop(0, nbox, body, jnp.zeros((N, S, S, NEL), jnp.float32))


def point_form(b):
    return jnp.concatenate([b[..., :2] - b[..., 2:] / 2.0, b[..., :2] + b[..., 2:] / 2.0], axis=-1)


def jaccard(a, b):
    lt = jnp.maximum(a[:, :, None, :2], b[:, None, :, :2])
    rb = jnp.minimum(a[:, :, None, 2:], b[:, None, :, 2:])
    wh = jnp.clip(rb - lt, 0.0, None)
    inter = wh[..., 0] * wh[..., 1]
    area_a = (a[..., 2] - a[..., 0]) * (a[..., 3] - a[..., 1])
    area_b = (b[..., 2] - b[..., 0]) * (b[..., 3] - b[..., 1])
    return inter / (area_a[:, :, None] + area_b[:, None, :] - inter)


def bce_logits(x, z):
    return jnp.maximum(x, 0.0) - x * z + jnp.log1p(jnp.exp(-jnp.abs(x)))


def setup_inputs(seed: int = 0):
    key = jax.random.key(seed)
    k0, k1, k2, k3 = jax.random.split(key, 4)
    prediction = jax.random.normal(k0, (BATCH, S * S * NEL), dtype=jnp.float32)
    xy1 = jax.random.uniform(k1, (BATCH, NBOX, 2), minval=0.05, maxval=0.6)
    wh = jax.random.uniform(k2, (BATCH, NBOX, 2), minval=0.05, maxval=0.35)
    cls = jax.random.randint(k3, (BATCH, NBOX, 1), 0, C).astype(jnp.float32)
    target = jnp.concatenate([xy1, xy1 + wh, cls], axis=-1)
    return {"prediction": prediction, "target": target}


def reference(prediction, target):
    t = encode_np(target).reshape(-1, NEL)
    p = prediction.reshape(-1, NEL)
    mask = (t[:, 4] > 0).astype(jnp.float32)
    class_pred = p[:, B * 5:]
    class_tgt = t[:, B * 5].astype(jnp.int32)
    box_pred = p[:, :B * 5].reshape(-1, B, 5)
    box_tgt = t[:, :B * 5].reshape(-1, B, 5)
    n_c = box_pred.shape[0]
    iou = jaccard(point_form(box_pred[..., :4]), point_form(box_tgt[..., :4]))
    max_index = jnp.argmax(iou, axis=1)
    resp = jnp.zeros((n_c, B), bool).at[jnp.arange(n_c)[:, None], max_index].set(True)
    w = resp.astype(jnp.float32) * mask[:, None]
    cnt = jnp.sum(w)
    contain_loss = jnp.sum(w * bce_logits(box_pred[..., 4], box_tgt[..., 4])) / cnt
    loc_loss = (jnp.sum(w[..., None] * (box_pred[..., :2] - box_tgt[..., :2]) ** 2) / (2.0 * cnt)
                + jnp.sum(w[..., None] * (box_pred[..., 2:4] - box_tgt[..., 2:4]) ** 2) / (2.0 * cnt))
    logp = jax.nn.log_softmax(class_pred, axis=-1)
    picked = jnp.take_along_axis(logp, class_tgt[:, None], axis=1)[:, 0]
    class_loss = -jnp.sum(mask * picked) / jnp.sum(mask)
    return class_loss + contain_loss + L_COORD * loc_loss

if __name__ == "__main__":
    import jax
    _d = setup_inputs()
    print(jax.jit(kernel)(*tuple(_d.values())))

</pallas_src>

<mosaic_0001>
#map = affine_map<(d0, d1) -> (0, 0)>
#map1 = affine_map<(d0, d1) -> (0, 0, 0)>
module attributes {stable_mosaic.version = 14 : i64} {
  func.func @_sc_body(%arg0: i32, %arg1: i32, %arg2: memref<1024x1470xf32, #tpu.memory_space<hbm>>, %arg3: memref<10x5x1024xf32, #tpu.memory_space<hbm>>, %arg4: memref<32x5x16xf32, #tpu.memory_space<hbm>>, %arg5: memref<1280xf32, #tpu.memory_space<vmem>>, %arg6: memref<1568xi32, #tpu.memory_space<vmem>>, %arg7: memref<20x16xi32, #tpu.memory_space<vmem>>, %arg8: memref<20x16xf32, #tpu.memory_space<vmem>>, %arg9: memref<20x16xf32, #tpu.memory_space<vmem>>, %arg10: memref<20x16xf32, #tpu.memory_space<vmem>>, %arg11: memref<20x16xf32, #tpu.memory_space<vmem>>, %arg12: memref<32x1470xf32, #tpu.memory_space<vmem>>, %arg13: memref<5x16xf32, #tpu.memory_space<vmem>>, %arg14: memref<!tpu.dma_semaphore, #tpu.memory_space<semaphore_mem>>, %arg15: memref<!tpu.dma_semaphore, #tpu.memory_space<semaphore_mem>>) attributes {dimension_semantics = [#tpu.dimension_semantics<core_parallel>, #tpu.dimension_semantics<subcore_parallel>], iteration_bounds = array<i64: 2, 16>, scalar_prefetch = 0 : i64, scratch_operands = 11 : i64, tpu.core_type = #tpu.core_type<sc_vector_subcore>, window_params = [{transform_indices = #map}, {transform_indices = #map1}, {transform_indices = #map1}]} {
    %mul3A = arith.constant 2 : i32
    %mul3A_0 = arith.muli %arg1, %mul3A : i32
    %add3A = arith.addi %mul3A_0, %arg0 : i32
    %mul3A_1 = arith.constant 32 : i32
    %mul3A_2 = arith.muli %add3A, %mul3A_1 : i32
    %iota3A = tpu.iota {dimensions = array<i32: 0>} : vector<16xi32>
    %scan3A = arith.constant 0 : i32
    %scan3A_3 = arith.constant 0 : i32
    %scan3A_4 = arith.constant 40 : i32
    %scan3A_5 = arith.addi %scan3A_3, %scan3A_4 : i32
    %scan3A_6 = arith.constant 1 : i32
    scf.for %scan3A_53 = %scan3A_3 to %scan3A_5 step %scan3A_6  : i32 {
      %jit3A = arith.constant 10 : i32
      %eq3A = arith.constant 0 : i32
      %eq3A_54 = arith.cmpi eq, %jit3A, %eq3A : i32
      %jit3A_55 = arith.constant 1 : i32
      %select_n3A = arith.select %eq3A_54, %jit3A_55, %jit3A : i32
      %rem3A = arith.remsi %scan3A_53, %select_n3A : i32
      %ne3A = arith.constant 0 : i32
      %ne3A_56 = arith.cmpi ne, %rem3A, %ne3A : i32
      %lt3A = arith.constant 0 : i32
      %lt3A_57 = arith.cmpi slt, %rem3A, %lt3A : i32
      %lt3A_58 = arith.constant 0 : i32
      %lt3A_59 = arith.cmpi slt, %select_n3A, %lt3A_58 : i32
      %ne3A_60 = arith.xori %lt3A_57, %lt3A_59 : i1
      %and3A = arith.andi %ne3A_60, %ne3A_56 : i1
      %add3A_61 = arith.addi %rem3A, %select_n3A : i32
      %select_n3A_62 = arith.select %and3A, %add3A_61, %rem3A : i32
      %jit3A_63 = arith.constant 10 : i32
      %div3A = arith.divsi %scan3A_53, %jit3A_63 : i32
      %sign3A = arith.constant 0 : i32
      %sign3A_64 = arith.cmpi sgt, %scan3A_53, %sign3A : i32
      %sign3A_65 = arith.extui %sign3A_64 : i1 to i32
      %sign3A_66 = arith.constant 0 : i32
      %sign3A_67 = arith.cmpi slt, %scan3A_53, %sign3A_66 : i32
      %sign3A_68 = arith.extui %sign3A_67 : i1 to i32
      %sign3A_69 = arith.subi %sign3A_65, %sign3A_68 : i32
      %sign3A_70 = arith.constant 0 : i32
      %sign3A_71 = arith.cmpi sgt, %jit3A_63, %sign3A_70 : i32
      %sign3A_72 = arith.extui %sign3A_71 : i1 to i32
      %sign3A_73 = arith.constant 0 : i32
      %sign3A_74 = arith.cmpi slt, %jit3A_63, %sign3A_73 : i32
      %sign3A_75 = arith.extui %sign3A_74 : i1 to i32
      %sign3A_76 = arith.subi %sign3A_72, %sign3A_75 : i32
      %ne3A_77 = arith.cmpi ne, %sign3A_69, %sign3A_76 : i32
      %rem3A_78 = arith.remsi %scan3A_53, %jit3A_63 : i32
      %ne3A_79 = arith.constant 0 : i32
      %ne3A_80 = arith.cmpi ne, %rem3A_78, %ne3A_79 : i32
      %and3A_81 = arith.andi %ne3A_77, %ne3A_80 : i1
      %sub3A = arith.constant 1 : i32
      %sub3A_82 = arith.subi %div3A, %sub3A : i32
      %select_n3A_83 = arith.select %and3A_81, %sub3A_82, %div3A : i32
      %mul3A_84 = arith.constant 32 : i32
      %mul3A_85 = arith.muli %scan3A_53, %mul3A_84 : i32
      %multiple_of3A = tpu.assume_multiple %mul3A_85, 8 : i32
      %multiple_of3A_86 = tpu.assume_multiple %mul3A_2, 8 : i32
      %dma_start3A_87 = tpu.memref_slice %arg5[%multiple_of3A] : memref<1280xf32, #tpu.memory_space<vmem>> -> memref<32xf32, #tpu.memory_space<vmem>>
      %dma_start3A_88 = tpu.memref_slice %arg3[%select_n3A_62, %select_n3A_83, %multiple_of3A_86] : memref<10x5x1024xf32, #tpu.memory_space<hbm>> -> memref<1x1x32xf32, #tpu.memory_space<hbm>>
      %dma_start3A_89 = tpu.memref_squeeze %dma_start3A_88 : memref<1x1x32xf32, #tpu.memory_space<hbm>> -> memref<32xf32, #tpu.memory_space<hbm>>
      %dma_start3A_90 = tpu.memref_slice %arg5[%multiple_of3A] : memref<1280xf32, #tpu.memory_space<vmem>> -> memref<32xf32, #tpu.memory_space<vmem>>
      %dma_start3A_91 = tpu.memref_slice %arg3[%select_n3A_62, %select_n3A_83, %multiple_of3A_86] : memref<10x5x1024xf32, #tpu.memory_space<hbm>> -> memref<1x1x32xf32, #tpu.memory_space<hbm>>
      %dma_start3A_92 = tpu.memref_squeeze %dma_start3A_91 : memref<1x1x32xf32, #tpu.memory_space<hbm>> -> memref<32xf32, #tpu.memory_space<hbm>>
      tpu.enqueue_dma source(%dma_start3A_92 : memref<32xf32, #tpu.memory_space<hbm>>) target(%dma_start3A_90 : memref<32xf32, #tpu.memory_space<vmem>>) target_semaphore(%arg15 : memref<!tpu.dma_semaphore, #tpu.memory_space<semaphore_mem>>)
    }
    %scan3A_7 = arith.constant 40 : i32
    %dma_start3A = arith.constant 0 : i32
    %dma_start3A_8 = tpu.memref_slice %arg2[%mul3A_2, %dma_start3A] : memref<1024x1470xf32, #tpu.memory_space<hbm>> -> memref<32x1470xf32, #tpu.memory_space<hbm>>
    %dma_start3A_9 = arith.constant 0 : i32
    %dma_start3A_10 = tpu.memref_slice %arg2[%mul3A_2, %dma_start3A_9] : memref<1024x1470xf32, #tpu.memory_space<hbm>> -> memref<32x1470xf32, #tpu.memory_space<hbm>>
    tpu.enqueue_dma source(%dma_start3A_10 : memref<32x1470xf32, #tpu.memory_space<hbm>>) target(%arg12 : memref<32x1470xf32, #tpu.memory_space<vmem>>) target_semaphore(%arg14 : memref<!tpu.dma_semaphore, #tpu.memory_space<semaphore_mem>>)
    %dma_wait3A = arith.constant 0 : i32
    %dma_wait3A_11 = arith.constant 0 : i32
    %dma_wait3A_12 = tpu.memref_slice %arg2[%dma_wait3A, %dma_wait3A_11] : memref<1024x1470xf32, #tpu.memory_space<hbm>> -> memref<1x1280xf32, #tpu.memory_space<hbm>>
    %dma_wait3A_13 = tpu.memref_squeeze %dma_wait3A_12 : memref<1x1280xf32, #tpu.memory_space<hbm>> -> memref<1280xf32, #tpu.memory_space<hbm>>
    %dma_wait3A_14 = arith.constant 0 : i32
    %dma_wait3A_15 = tpu.memref_slice %arg2[%dma_wait3A, %dma_wait3A_14] : memref<1024x1470xf32, #tpu.memory_space<hbm>> -> memref<1x1280xf32, #tpu.memory_space<hbm>>
    %dma_wait3A_16 = tpu.memref_squeeze %dma_wait3A_15 : memref<1x1280xf32, #tpu.memory_space<hbm>> -> memref<1280xf32, #tpu.memory_space<hbm>>
    tpu.wait_dma2 semaphore(%arg15 : memref<!tpu.dma_semaphore, #tpu.memory_space<semaphore_mem>>) src(%dma_wait3A_16 : memref<1280xf32, #tpu.memory_space<hbm>>) dst(%arg5 : memref<1280xf32, #tpu.memory_space<vmem>>)
    %scan3A_17 = arith.constant 0 : i32
    %scan3A_18 = arith.constant 0 : i32
    %scan3A_19 = arith.constant 20 : i32
    %scan3A_20 = arith.addi %scan3A_18, %scan3A_19 : i32
    %scan3A_21 = arith.constant 1 : i32
    scf.for %scan3A_53 = %scan3A_18 to %scan3A_20 step %scan3A_21  : i32 {
      %jit3A = arith.constant 2 : i32
      %div3A = arith.divsi %scan3A_53, %jit3A : i32
      %sign3A = arith.constant 0 : i32
      %sign3A_54 = arith.cmpi sgt, %scan3A_53, %sign3A : i32
      %sign3A_55 = arith.extui %sign3A_54 : i1 to i32
      %sign3A_56 = arith.constant 0 : i32
      %sign3A_57 = arith.cmpi slt, %scan3A_53, %sign3A_56 : i32
      %sign3A_58 = arith.extui %sign3A_57 : i1 to i32
      %sign3A_59 = arith.subi %sign3A_55, %sign3A_58 : i32
      %sign3A_60 = arith.constant 0 : i32
      %sign3A_61 = arith.cmpi sgt, %jit3A, %sign3A_60 : i32
      %sign3A_62 = arith.extui %sign3A_61 : i1 to i32
      %sign3A_63 = arith.constant 0 : i32
      %sign3A_64 = arith.cmpi slt, %jit3A, %sign3A_63 : i32
      %sign3A_65 = arith.extui %sign3A_64 : i1 to i32
      %sign3A_66 = arith.subi %sign3A_62, %sign3A_65 : i32
      %ne3A = arith.cmpi ne, %sign3A_59, %sign3A_66 : i32
      %rem3A = arith.remsi %scan3A_53, %jit3A : i32
      %ne3A_67 = arith.constant 0 : i32
      %ne3A_68 = arith.cmpi ne, %rem3A, %ne3A_67 : i32
      %and3A = arith.andi %ne3A, %ne3A_68 : i1
      %sub3A = arith.constant 1 : i32
      %sub3A_69 = arith.subi %div3A, %sub3A : i32
      %select_n3A = arith.select %and3A, %sub3A_69, %div3A : i32
      %jit3A_70 = arith.constant 2 : i32
      %eq3A = arith.constant 0 : i32
      %eq3A_71 = arith.cmpi eq, %jit3A_70, %eq3A : i32
      %jit3A_72 = arith.constant 1 : i32
      %select_n3A_73 = arith.select %eq3A_71, %jit3A_72, %jit3A_70 : i32
      %rem3A_74 = arith.remsi %scan3A_53, %select_n3A_73 : i32
      %ne3A_75 = arith.constant 0 : i32
      %ne3A_76 = arith.cmpi ne, %rem3A_74, %ne3A_75 : i32
      %lt3A = arith.constant 0 : i32
      %lt3A_77 = arith.cmpi slt, %rem3A_74, %lt3A : i32
      %lt3A_78 = arith.constant 0 : i32
      %lt3A_79 = arith.cmpi slt, %select_n3A_73, %lt3A_78 : i32
      %ne3A_80 = arith.xori %lt3A_77, %lt3A_79 : i1
      %and3A_81 = arith.andi %ne3A_80, %ne3A_76 : i1
      %add3A_82 = arith.addi %rem3A_74, %select_n3A_73 : i32
      %select_n3A_83 = arith.select %and3A_81, %add3A_82, %rem3A_74 : i32
      %mul3A_84 = arith.constant 16 : i32
      %mul3A_85 = arith.muli %select_n3A_83, %mul3A_84 : i32
      %add3A_86 = vector.broadcast %mul3A_85 : i32 to vector<16xi32>
      %add3A_87 = arith.addi %add3A_86, %iota3A : vector<16xi32>
      %broadcast_in_dim3A_88 = vector.broadcast %scan3A_53 : i32 to vector<16xi32>
      %add3A_89 = arith.constant 0 : i32
      %add3A_90 = arith.addi %add3A_89, %select_n3A : i32
      %mul3A_91 = arith.constant 32 : i32
      %mul3A_92 = arith.muli %add3A_90, %mul3A_91 : i32
      %add3A_93 = vector.broadcast %mul3A_92 : i32 to vector<16xi32>
      %add3A_94 = arith.addi %add3A_93, %add3A_87 : vector<16xi32>
      %gather3A = tpu.vector_load_idx %arg5[%add3A_94] : memref<1280xf32, #tpu.memory_space<vmem>>[vector<16xi32>], vector<16xf32>,
      %add3A_95 = arith.constant 10 : i32
      %add3A_96 = arith.addi %add3A_95, %select_n3A : i32
      %mul3A_97 = arith.constant 32 : i32
      %mul3A_98 = arith.muli %add3A_96, %mul3A_97 : i32
      %add3A_99 = vector.broadcast %mul3A_98 : i32 to vector<16xi32>
      %add3A_100 = arith.addi %add3A_99, %add3A_87 : vector<16xi32>
      %gather3A_101 = tpu.vector_load_idx %arg5[%add3A_100] : memref<1280xf32, #tpu.memory_space<vmem>>[vector<16xi32>], vector<16xf32>,
      %add3A_102 = arith.constant 20 : i32
      %add3A_103 = arith.addi %add3A_102, %select_n3A : i32
      %mul3A_104 = arith.constant 32 : i32
      %mul3A_105 = arith.muli %add3A_103, %mul3A_104 : i32
      %add3A_106 = vector.broadcast %mul3A_105 : i32 to vector<16xi32>
      %add3A_107 = arith.addi %add3A_106, %add3A_87 : vector<16xi32>
      %gather3A_108 = tpu.vector_load_idx %arg5[%add3A_107] : memref<1280xf32, #tpu.memory_space<vmem>>[vector<16xi32>], vector<16xf32>,
      %add3A_109 = arith.constant 30 : i32
      %add3A_110 = arith.addi %add3A_109, %select_n3A : i32
      %mul3A_111 = arith.constant 32 : i32
      %mul3A_112 = arith.muli %add3A_110, %mul3A_111 : i32
      %add3A_113 = vector.broadcast %mul3A_112 : i32 to vector<16xi32>
      %add3A_114 = arith.addi %add3A_113, %add3A_87 : vector<16xi32>
      %gather3A_115 = tpu.vector_load_idx %arg5[%add3A_114] : memref<1280xf32, #tpu.memory_space<vmem>>[vector<16xi32>], vector<16xf32>,
      %add3A_116 = arith.addf %gather3A_108, %gather3A : vector<16xf32>
      %div3A_117 = arith.constant 2.000000e+00 : f32
      %div3A_118 = vector.broadcast %div3A_117 : f32 to vector<16xf32>
      %div3A_119 = arith.divf %add3A_116, %div3A_118 : vector<16xf32>
      %add3A_120 = arith.addf %gather3A_115, %gather3A_101 : vector<16xf32>
      %div3A_121 = arith.constant 2.000000e+00 : f32
      %div3A_122 = vector.broadcast %div3A_121 : f32 to vector<16xf32>
      %div3A_123 = arith.divf %add3A_120, %div3A_122 : vector<16xf32>
      %div3A_124 = arith.constant 0.142857149 : f32
      %div3A_125 = vector.broadcast %div3A_124 : f32 to vector<16xf32>
      %div3A_126 = arith.divf %div3A_119, %div3A_125 : vector<16xf32>
      %div3A_127 = arith.constant 0.142857149 : f32
      %div3A_128 = vector.broadcast %div3A_127 : f32 to vector<16xf32>
      %div3A_129 = arith.divf %div3A_123, %div3A_128 : vector<16xf32>
      %convert_element_type3A = arith.fptosi %div3A_126 : vector<16xf32> to vector<16xi32>
      %convert_element_type3A_130 = arith.sitofp %convert_element_type3A : vector<16xi32> to vector<16xf32>
      %convert_element_type3A_131 = arith.fptosi %div3A_129 : vector<16xf32> to vector<16xi32>
      %convert_element_type3A_132 = arith.sitofp %convert_element_type3A_131 : vector<16xi32> to vector<16xf32>
      %gt3A = arith.cmpf ogt, %div3A_126, %convert_element_type3A_130 : vector<16xf32>
      %add3A_133 = arith.constant 1.000000e+00 : f32
      %add3A_134 = vector.broadcast %add3A_133 : f32 to vector<16xf32>
      %add3A_135 = arith.addf %convert_element_type3A_130, %add3A_134 : vector<16xf32>
      %select_n3A_136 = arith.select %gt3A, %add3A_135, %convert_element_type3A_130 : vector<16xi1>, vector<16xf32>
      %sub3A_137 = arith.constant 1.000000e+00 : f32
      %sub3A_138 = vector.broadcast %sub3A_137 : f32 to vector<16xf32>
      %sub3A_139 = arith.subf %select_n3A_136, %sub3A_138 : vector<16xf32>
      %gt3A_140 = arith.cmpf ogt, %div3A_129, %convert_element_type3A_132 : vector<16xf32>
      %add3A_141 = arith.constant 1.000000e+00 : f32
      %add3A_142 = vector.broadcast %add3A_141 : f32 to vector<16xf32>
      %add3A_143 = arith.addf %convert_element_type3A_132, %add3A_142 : vector<16xf32>
      %select_n3A_144 = arith.select %gt3A_140, %add3A_143, %convert_element_type3A_132 : vector<16xi1>, vector<16xf32>
      %sub3A_145 = arith.constant 1.000000e+00 : f32
      %sub3A_146 = vector.broadcast %sub3A_145 : f32 to vector<16xf32>
      %sub3A_147 = arith.subf %select_n3A_144, %sub3A_146 : vector<16xf32>
      %convert_element_type3A_148 = arith.fptosi %sub3A_147 : vector<16xf32> to vector<16xi32>
      %mul3A_149 = arith.constant 7 : i32
      %mul3A_150 = vector.broadcast %mul3A_149 : i32 to vector<16xi32>
      %mul3A_151 = arith.muli %convert_element_type3A_148, %mul3A_150 : vector<16xi32>
      %convert_element_type3A_152 = arith.fptosi %sub3A_139 : vector<16xf32> to vector<16xi32>
      %add3A_153 = arith.addi %mul3A_151, %convert_element_type3A_152 : vector<16xi32>
      %mul3A_154 = arith.constant 49 : i32
      %mul3A_155 = vector.broadcast %mul3A_154 : i32 to vector<16xi32>
      %mul3A_156 = arith.muli %add3A_87, %mul3A_155 : vector<16xi32>
      %add3A_157 = arith.addi %mul3A_156, %add3A_153 : vector<16xi32>
      tpu.vector_store_idx %arg7[%broadcast_in_dim3A_88, %iota3A], %add3A_157 : memref<20x16xi32, #tpu.memory_space<vmem>>[vector<16xi32>, vector<16xi32>], vector<16xi32>,
      %mul3A_158 = arith.constant 0.142857149 : f32
      %mul3A_159 = vector.broadcast %mul3A_158 : f32 to vector<16xf32>
      %mul3A_160 = arith.mulf %sub3A_139, %mul3A_159 : vector<16xf32>
      %sub3A_161 = arith.subf %div3A_119, %mul3A_160 : vector<16xf32>
      %div3A_162 = arith.constant 0.142857149 : f32
      %div3A_163 = vector.broadcast %div3A_162 : f32 to vector<16xf32>
      %div3A_164 = arith.divf %sub3A_161, %div3A_163 : vector<16xf32>
      tpu.vector_store_idx %arg8[%broadcast_in_dim3A_88, %iota3A], %div3A_164 : memref<20x16xf32, #tpu.memory_space<vmem>>[vector<16xi32>, vector<16xi32>], vector<16xf32>,
      %mul3A_165 = arith.constant 0.142857149 : f32
      %mul3A_166 = vector.broadcast %mul3A_165 : f32 to vector<16xf32>
      %mul3A_167 = arith.mulf %sub3A_147, %mul3A_166 : vector<16xf32>
      %sub3A_168 = arith.subf %div3A_123, %mul3A_167 : vector<16xf32>
      %div3A_169 = arith.constant 0.142857149 : f32
      %div3A_170 = vector.broadcast %div3A_169 : f32 to vector<16xf32>
      %div3A_171 = arith.divf %sub3A_168, %div3A_170 : vector<16xf32>
      tpu.vector_store_idx %arg9[%broadcast_in_dim3A_88, %iota3A], %div3A_171 : memref<20x16xf32, #tpu.memory_space<vmem>>[vector<16xi32>, vector<16xi32>], vector<16xf32>,
      %sub3A_172 = arith.subf %gather3A_108, %gather3A : vector<16xf32>
      %mul3A_173 = arith.constant 7.000000e+00 : f32
      %mul3A_174 = vector.broadcast %mul3A_173 : f32 to vector<16xf32>
      %mul3A_175 = arith.mulf %sub3A_172, %mul3A_174 : vector<16xf32>
      tpu.vector_store_idx %arg10[%broadcast_in_dim3A_88, %iota3A], %mul3A_175 : memref<20x16xf32, #tpu.memory_space<vmem>>[vector<16xi32>, vector<16xi32>], vector<16xf32>,
      %sub3A_176 = arith.subf %gather3A_115, %gather3A_101 : vector<16xf32>
      %mul3A_177 = arith.constant 7.000000e+00 : f32
      %mul3A_178 = vector.broadcast %mul3A_177 : f32 to vector<16xf32>
      %mul3A_179 = arith.mulf %sub3A_176, %mul3A_178 : vector<16xf32>
      tpu.vector_store_idx %arg11[%broadcast_in_dim3A_88, %iota3A], %mul3A_179 : memref<20x16xf32, #tpu.memory_space<vmem>>[vector<16xi32>, vector<16xi32>], vector<16xf32>,
      %broadcast_in_dim3A_180 = vector.broadcast %select_n3A : i32 to vector<16xi32>
      tpu.vector_store_idx %arg6[%add3A_157], %broadcast_in_dim3A_180 : memref<1568xi32, #tpu.memory_space<vmem>>[vector<16xi32>], vector<16xi32>,
    }
    %scan3A_22 = arith.constant 20 : i32
    %dma_wait3A_23 = arith.constant 0 : i32
    %dma_wait3A_24 = tpu.memref_slice %arg2[%mul3A_2, %dma_wait3A_23] : memref<1024x1470xf32, #tpu.memory_space<hbm>> -> memref<32x1470xf32, #tpu.memory_space<hbm>>
    %dma_wait3A_25 = arith.constant 0 : i32
    %dma_wait3A_26 = tpu.memref_slice %arg2[%mul3A_2, %dma_wait3A_25] : memref<1024x1470xf32, #tpu.memory_space<hbm>> -> memref<32x1470xf32, #tpu.memory_space<hbm>>
    tpu.wait_dma2 semaphore(%arg14 : memref<!tpu.dma_semaphore, #tpu.memory_space<semaphore_mem>>) src(%dma_wait3A_26 : memref<32x1470xf32, #tpu.memory_space<hbm>>) dst(%arg12 : memref<32x1470xf32, #tpu.memory_space<vmem>>)
    %broadcast_in_dim3A = arith.constant 0.000000e+00 : f32
    %broadcast_in_dim3A_27 = vector.broadcast %broadcast_in_dim3A : f32 to vector<16xf32>
    %scan3A_28 = arith.constant 0 : i32
    %scan3A_29 = arith.constant 20 : i32
    %scan3A_30 = arith.addi %scan3A_28, %scan3A_29 : i32
    %scan3A_31 = arith.constant 1 : i32
    %scan3A_32:5 = scf.for %scan3A_53 = %scan3A_28 to %scan3A_30 step %scan3A_31 iter_args(%scan3A_54 = %broadcast_in_dim3A_27, %scan3A_55 = %broadcast_in_dim3A_27, %scan3A_56 = %broadcast_in_dim3A_27, %scan3A_57 = %broadcast_in_dim3A_27, %scan3A_58 = %broadcast_in_dim3A_27) -> (vector<16xf32>, vector<16xf32>, vector<16xf32>, vector<16xf32>, vector<16xf32>)  : i32 {
      %jit3A = arith.constant 2 : i32
      %div3A = arith.divsi %scan3A_53, %jit3A : i32
      %sign3A = arith.constant 0 : i32
      %sign3A_59 = arith.cmpi sgt, %scan3A_53, %sign3A : i32
      %sign3A_60 = arith.extui %sign3A_59 : i1 to i32
      %sign3A_61 = arith.constant 0 : i32
      %sign3A_62 = arith.cmpi slt, %scan3A_53, %sign3A_61 : i32
      %sign3A_63 = arith.extui %sign3A_62 : i1 to i32
      %sign3A_64 = arith.subi %sign3A_60, %sign3A_63 : i32
      %sign3A_65 = arith.constant 0 : i32
      %sign3A_66 = arith.cmpi sgt, %jit3A, %sign3A_65 : i32
      %sign3A_67 = arith.extui %sign3A_66 : i1 to i32
      %sign3A_68 = arith.constant 0 : i32
      %sign3A_69 = arith.cmpi slt, %jit3A, %sign3A_68 : i32
      %sign3A_70 = arith.extui %sign3A_69 : i1 to i32
      %sign3A_71 = arith.subi %sign3A_67, %sign3A_70 : i32
      %ne3A = arith.cmpi ne, %sign3A_64, %sign3A_71 : i32
      %rem3A = arith.remsi %scan3A_53, %jit3A : i32
      %ne3A_72 = arith.constant 0 : i32
      %ne3A_73 = arith.cmpi ne, %rem3A, %ne3A_72 : i32
      %and3A = arith.andi %ne3A, %ne3A_73 : i1
      %sub3A = arith.constant 1 : i32
      %sub3A_74 = arith.subi %div3A, %sub3A : i32
      %select_n3A = arith.select %and3A, %sub3A_74, %div3A : i32
      %broadcast_in_dim3A_75 = vector.broadcast %scan3A_53 : i32 to vector<16xi32>
      %jit3A_76 = arith.constant 2 : i32
      %eq3A = arith.constant 0 : i32
      %eq3A_77 = arith.cmpi eq, %jit3A_76, %eq3A : i32
      %jit3A_78 = arith.constant 1 : i32
      %select_n3A_79 = arith.select %eq3A_77, %jit3A_78, %jit3A_76 : i32
      %rem3A_80 = arith.remsi %scan3A_53, %select_n3A_79 : i32
      %ne3A_81 = arith.constant 0 : i32
      %ne3A_82 = arith.cmpi ne, %rem3A_80, %ne3A_81 : i32
      %lt3A = arith.constant 0 : i32
      %lt3A_83 = arith.cmpi slt, %rem3A_80, %lt3A : i32
      %lt3A_84 = arith.constant 0 : i32
      %lt3A_85 = arith.cmpi slt, %select_n3A_79, %lt3A_84 : i32
      %ne3A_86 = arith.xori %lt3A_83, %lt3A_85 : i1
      %and3A_87 = arith.andi %ne3A_86, %ne3A_82 : i1
      %add3A_88 = arith.addi %rem3A_80, %select_n3A_79 : i32
      %select_n3A_89 = arith.select %and3A_87, %add3A_88, %rem3A_80 : i32
      %mul3A_90 = arith.constant 16 : i32
      %mul3A_91 = arith.muli %select_n3A_89, %mul3A_90 : i32
      %add3A_92 = vector.broadcast %mul3A_91 : i32 to vector<16xi32>
      %add3A_93 = arith.addi %add3A_92, %iota3A : vector<16xi32>
      %gather3A = tpu.vector_load_idx %arg8[%broadcast_in_dim3A_75, %iota3A] : memref<20x16xf32, #tpu.memory_space<vmem>>[vector<16xi32>, vector<16xi32>], vector<16xf32>,
      %gather3A_94 = tpu.vector_load_idx %arg9[%broadcast_in_dim3A_75, %iota3A] : memref<20x16xf32, #tpu.memory_space<vmem>>[vector<16xi32>, vector<16xi32>], vector<16xf32>,
      %gather3A_95 = tpu.vector_load_idx %arg10[%broadcast_in_dim3A_75, %iota3A] : memref<20x16xf32, #tpu.memory_space<vmem>>[vector<16xi32>, vector<16xi32>], vector<16xf32>,
      %gather3A_96 = tpu.vector_load_idx %arg11[%broadcast_in_dim3A_75, %iota3A] : memref<20x16xf32, #tpu.memory_space<vmem>>[vector<16xi32>, vector<16xi32>], vector<16xf32>,
      %gather3A_97 = tpu.vector_load_idx %arg7[%broadcast_in_dim3A_75, %iota3A] : memref<20x16xi32, #tpu.memory_space<vmem>>[vector<16xi32>, vector<16xi32>], vector<16xi32>,
      %gather3A_98 = tpu.vector_load_idx %arg6[%gather3A_97] : memref<1568xi32, #tpu.memory_space<vmem>>[vector<16xi32>], vector<16xi32>,
      %eq3A_99 = vector.broadcast %select_n3A : i32 to vector<16xi32>
      %eq3A_100 = arith.cmpi eq, %gather3A_98, %eq3A_99 : vector<16xi32>
      %jit3A_101 = arith.constant 1.000000e+00 : f32
      %jit3A_102 = arith.constant 0.000000e+00 : f32
      %broadcast_in_dim3A_103 = vector.broadcast %jit3A_101 : f32 to vector<16xf32>
      %broadcast_in_dim3A_104 = vector.broadcast %jit3A_102 : f32 to vector<16xf32>
      %select_n3A_105 = arith.select %eq3A_100, %broadcast_in_dim3A_103, %broadcast_in_dim3A_104 : vector<16xi1>, vector<16xf32>
      %mul3A_106 = arith.constant 49 : i32
      %mul3A_107 = vector.broadcast %mul3A_106 : i32 to vector<16xi32>
      %mul3A_108 = arith.muli %add3A_93, %mul3A_107 : vector<16xi32>
      %sub3A_109 = arith.subi %gather3A_97, %mul3A_108 : vector<16xi32>
      %mul3A_110 = arith.constant 30 : i32
      %mul3A_111 = vector.broadcast %mul3A_110 : i32 to vector<16xi32>
      %mul3A_112 = arith.muli %sub3A_109, %mul3A_111 : vector<16xi32>
      %add3A_113 = arith.constant 0 : i32
      %add3A_114 = vector.broadcast %add3A_113 : i32 to vector<16xi32>
      %add3A_115 = arith.addi %mul3A_112, %add3A_114 : vector<16xi32>
      %gather3A_116 = tpu.vector_load_idx %arg12[%add3A_93, %add3A_115] : memref<32x1470xf32, #tpu.memory_space<vmem>>[vector<16xi32>, vector<16xi32>], vector<16xf32>,
      %add3A_117 = arith.constant 1 : i32
      %add3A_118 = vector.broadcast %add3A_117 : i32 to vector<16xi32>
      %add3A_119 = arith.addi %mul3A_112, %add3A_118 : vector<16xi32>
      %gather3A_120 = tpu.vector_load_idx %arg12[%add3A_93, %add3A_119] : memref<32x1470xf32, #tpu.memory_space<vmem>>[vector<16xi32>, vector<16xi32>], vector<16xf32>,
      %add3A_121 = arith.constant 2 : i32
      %add3A_122 = vector.broadcast %add3A_121 : i32 to vector<16xi32>
      %add3A_123 = arith.addi %mul3A_112, %add3A_122 : vector<16xi32>
      %gather3A_124 = tpu.vector_load_idx %arg12[%add3A_93, %add3A_123] : memref<32x1470xf32, #tpu.memory_space<vmem>>[vector<16xi32>, vector<16xi32>], vector<16xf32>,
      %add3A_125 = arith.constant 3 : i32
      %add3A_126 = vector.broadcast %add3A_125 : i32 to vector<16xi32>
      %add3A_127 = arith.addi %mul3A_112, %add3A_126 : vector<16xi32>
      %gather3A_128 = tpu.vector_load_idx %arg12[%add3A_93, %add3A_127] : memref<32x1470xf32, #tpu.memory_space<vmem>>[vector<16xi32>, vector<16xi32>], vector<16xf32>,
      %add3A_129 = arith.constant 4 : i32
      %add3A_130 = vector.broadcast %add3A_129 : i32 to vector<16xi32>
      %add3A_131 = arith.addi %mul3A_112, %add3A_130 : vector<16xi32>
      %gather3A_132 = tpu.vector_load_idx %arg12[%add3A_93, %add3A_131] : memref<32x1470xf32, #tpu.memory_space<vmem>>[vector<16xi32>, vector<16xi32>], vector<16xf32>,
      %add3A_133 = arith.constant 5 : i32
      %add3A_134 = vector.broadcast %add3A_133 : i32 to vector<16xi32>
      %add3A_135 = arith.addi %mul3A_112, %add3A_134 : vector<16xi32>
      %gather3A_136 = tpu.vector_load_idx %arg12[%add3A_93, %add3A_135] : memref<32x1470xf32, #tpu.memory_space<vmem>>[vector<16xi32>, vector<16xi32>], vector<16xf32>,
      %add3A_137 = arith.constant 6 : i32
      %add3A_138 = vector.broadcast %add3A_137 : i32 to vector<16xi32>
      %add3A_139 = arith.addi %mul3A_112, %add3A_138 : vector<16xi32>
      %gather3A_140 = tpu.vector_load_idx %arg12[%add3A_93, %add3A_139] : memref<32x1470xf32, #tpu.memory_space<vmem>>[vector<16xi32>, vector<16xi32>], vector<16xf32>,
      %add3A_141 = arith.constant 7 : i32
      %add3A_142 = vector.broadcast %add3A_141 : i32 to vector<16xi32>
      %add3A_143 = arith.addi %mul3A_112, %add3A_142 : vector<16xi32>
      %gather3A_144 = tpu.vector_load_idx %arg12[%add3A_93, %add3A_143] : memref<32x1470xf32, #tpu.memory_space<vmem>>[vector<16xi32>, vector<16xi32>], vector<16xf32>,
      %add3A_145 = arith.constant 8 : i32
      %add3A_146 = vector.broadcast %add3A_145 : i32 to vector<16xi32>
      %add3A_147 = arith.addi %mul3A_112, %add3A_146 : vector<16xi32>
      %gather3A_148 = tpu.vector_load_idx %arg12[%add3A_93, %add3A_147] : memref<32x1470xf32, #tpu.memory_space<vmem>>[vector<16xi32>, vector<16xi32>], vector<16xf32>,
      %add3A_149 = arith.constant 9 : i32
      %add3A_150 = vector.broadcast %add3A_149 : i32 to vector<16xi32>
      %add3A_151 = arith.addi %mul3A_112, %add3A_150 : vector<16xi32>
      %gather3A_152 = tpu.vector_load_idx %arg12[%add3A_93, %add3A_151] : memref<32x1470xf32, #tpu.memory_space<vmem>>[vector<16xi32>, vector<16xi32>], vector<16xf32>,
      %add3A_153 = arith.constant 10 : i32
      %add3A_154 = vector.broadcast %add3A_153 : i32 to vector<16xi32>
      %add3A_155 = arith.addi %mul3A_112, %add3A_154 : vector<16xi32>
      %gather3A_156 = tpu.vector_load_idx %arg12[%add3A_93, %add3A_155] : memref<32x1470xf32, #tpu.memory_space<vmem>>[vector<16xi32>, vector<16xi32>], vector<16xf32>,
      %add3A_157 = arith.constant 11 : i32
      %add3A_158 = vector.broadcast %add3A_157 : i32 to vector<16xi32>
      %add3A_159 = arith.addi %mul3A_112, %add3A_158 : vector<16xi32>
      %gather3A_160 = tpu.vector_load_idx %arg12[%add3A_93, %add3A_159] : memref<32x1470xf32, #tpu.memory_space<vmem>>[vector<16xi32>, vector<16xi32>], vector<16xf32>,
      %add3A_161 = arith.constant 12 : i32
      %add3A_162 = vector.broadcast %add3A_161 : i32 to vector<16xi32>
      %add3A_163 = arith.addi %mul3A_112, %add3A_162 : vector<16xi32>
      %gather3A_164 = tpu.vector_load_idx %arg12[%add3A_93, %add3A_163] : memref<32x1470xf32, #tpu.memory_space<vmem>>[vector<16xi32>, vector<16xi32>], vector<16xf32>,
      %add3A_165 = arith.constant 13 : i32
      %add3A_166 = vector.broadcast %add3A_165 : i32 to vector<16xi32>
      %add3A_167 = arith.addi %mul3A_112, %add3A_166 : vector<16xi32>
      %gather3A_168 = tpu.vector_load_idx %arg12[%add3A_93, %add3A_167] : memref<32x1470xf32, #tpu.memory_space<vmem>>[vector<16xi32>, vector<16xi32>], vector<16xf32>,
      %add3A_169 = arith.constant 14 : i32
      %add3A_170 = vector.broadcast %add3A_169 : i32 to vector<16xi32>
      %add3A_171 = arith.addi %mul3A_112, %add3A_170 : vector<16xi32>
      %gather3A_172 = tpu.vector_load_idx %arg12[%add3A_93, %add3A_171] : memref<32x1470xf32, #tpu.memory_space<vmem>>[vector<16xi32>, vector<16xi32>], vector<16xf32>,
      %add3A_173 = arith.constant 15 : i32
      %add3A_174 = vector.broadcast %add3A_173 : i32 to vector<16xi32>
      %add3A_175 = arith.addi %mul3A_112, %add3A_174 : vector<16xi32>
      %gather3A_176 = tpu.vector_load_idx %arg12[%add3A_93, %add3A_175] : memref<32x1470xf32, #tpu.memory_space<vmem>>[vector<16xi32>, vector<16xi32>], vector<16xf32>,
      %add3A_177 = arith.constant 16 : i32
      %add3A_178 = vector.broadcast %add3A_177 : i32 to vector<16xi32>
      %add3A_179 = arith.addi %mul3A_112, %add3A_178 : vector<16xi32>
      %gather3A_180 = tpu.vector_load_idx %arg12[%add3A_93, %add3A_179] : memref<32x1470xf32, #tpu.memory_space<vmem>>[vector<16xi32>, vector<16xi32>], vector<16xf32>,
      %add3A_181 = arith.constant 17 : i32
      %add3A_182 = vector.broadcast %add3A_181 : i32 to vector<16xi32>
      %add3A_183 = arith.addi %mul3A_112, %add3A_182 : vector<16xi32>
      %gather3A_184 = tpu.vector_load_idx %arg12[%add3A_93, %add3A_183] : memref<32x1470xf32, #tpu.memory_space<vmem>>[vector<16xi32>, vector<16xi32>], vector<16xf32>,
      %add3A_185 = arith.constant 18 : i32
      %add3A_186 = vector.broadcast %add3A_185 : i32 to vector<16xi32>
      %add3A_187 = arith.addi %mul3A_112, %add3A_186 : vector<16xi32>
      %gather3A_188 = tpu.vector_load_idx %arg12[%add3A_93, %add3A_187] : memref<32x1470xf32, #tpu.memory_space<vmem>>[vector<16xi32>, vector<16xi32>], vector<16xf32>,
      %add3A_189 = arith.constant 19 : i32
      %add3A_190 = vector.broadcast %add3A_189 : i32 to vector<16xi32>
      %add3A_191 = arith.addi %mul3A_112, %add3A_190 : vector<16xi32>
      %gather3A_192 = tpu.vector_load_idx %arg12[%add3A_93, %add3A_191] : memref<32x1470xf32, #tpu.memory_space<vmem>>[vector<16xi32>, vector<16xi32>], vector<16xf32>,
      %add3A_193 = arith.constant 20 : i32
      %add3A_194 = vector.broadcast %add3A_193 : i32 to vector<16xi32>
      %add3A_195 = arith.addi %mul3A_112, %add3A_194 : vector<16xi32>
      %gather3A_196 = tpu.vector_load_idx %arg12[%add3A_93, %add3A_195] : memref<32x1470xf32, #tpu.memory_space<vmem>>[vector<16xi32>, vector<16xi32>], vector<16xf32>,
      %add3A_197 = arith.constant 21 : i32
      %add3A_198 = vector.broadcast %add3A_197 : i32 to vector<16xi32>
      %add3A_199 = arith.addi %mul3A_112, %add3A_198 : vector<16xi32>
      %gather3A_200 = tpu.vector_load_idx %arg12[%add3A_93, %add3A_199] : memref<32x1470xf32, #tpu.memory_space<vmem>>[vector<16xi32>, vector<16xi32>], vector<16xf32>,
      %add3A_201 = arith.constant 22 : i32
      %add3A_202 = vector.broadcast %add3A_201 : i32 to vector<16xi32>
      %add3A_203 = arith.addi %mul3A_112, %add3A_202 : vector<16xi32>
      %gather3A_204 = tpu.vector_load_idx %arg12[%add3A_93, %add3A_203] : memref<32x1470xf32, #tpu.memory_space<vmem>>[vector<16xi32>, vector<16xi32>], vector<16xf32>,
      %add3A_205 = arith.constant 23 : i32
      %add3A_206 = vector.broadcast %add3A_205 : i32 to vector<16xi32>
      %add3A_207 = arith.addi %mul3A_112, %add3A_206 : vector<16xi32>
      %gather3A_208 = tpu.vector_load_idx %arg12[%add3A_93, %add3A_207] : memref<32x1470xf32, #tpu.memory_space<vmem>>[vector<16xi32>, vector<16xi32>], vector<16xf32>,
      %add3A_209 = arith.constant 24 : i32
      %add3A_210 = vector.broadcast %add3A_209 : i32 to vector<16xi32>
      %add3A_211 = arith.addi %mul3A_112, %add3A_210 : vector<16xi32>
      %gather3A_212 = tpu.vector_load_idx %arg12[%add3A_93, %add3A_211] : memref<32x1470xf32, #tpu.memory_space<vmem>>[vector<16xi32>, vector<16xi32>], vector<16xf32>,
      %add3A_213 = arith.constant 25 : i32
      %add3A_214 = vector.broadcast %add3A_213 : i32 to vector<16xi32>
      %add3A_215 = arith.addi %mul3A_112, %add3A_214 : vector<16xi32>
      %gather3A_216 = tpu.vector_load_idx %arg12[%add3A_93, %add3A_215] : memref<32x1470xf32, #tpu.memory_space<vmem>>[vector<16xi32>, vector<16xi32>], vector<16xf32>,
      %add3A_217 = arith.constant 26 : i32
      %add3A_218 = vector.broadcast %add3A_217 : i32 to vector<16xi32>
      %add3A_219 = arith.addi %mul3A_112, %add3A_218 : vector<16xi32>
      %gather3A_220 = tpu.vector_load_idx %arg12[%add3A_93, %add3A_219] : memref<32x1470xf32, #tpu.memory_space<vmem>>[vector<16xi32>, vector<16xi32>], vector<16xf32>,
      %add3A_221 = arith.constant 27 : i32
      %add3A_222 = vector.broadcast %add3A_221 : i32 to vector<16xi32>
      %add3A_223 = arith.addi %mul3A_112, %add3A_222 : vector<16xi32>
      %gather3A_224 = tpu.vector_load_idx %arg12[%add3A_93, %add3A_223] : memref<32x1470xf32, #tpu.memory_space<vmem>>[vector<16xi32>, vector<16xi32>], vector<16xf32>,
      %add3A_225 = arith.constant 28 : i32
      %add3A_226 = vector.broadcast %add3A_225 : i32 to vector<16xi32>
      %add3A_227 = arith.addi %mul3A_112, %add3A_226 : vector<16xi32>
      %gather3A_228 = tpu.vector_load_idx %arg12[%add3A_93, %add3A_227] : memref<32x1470xf32, #tpu.memory_space<vmem>>[vector<16xi32>, vector<16xi32>], vector<16xf32>,
      %add3A_229 = arith.constant 29 : i32
      %add3A_230 = vector.broadcast %add3A_229 : i32 to vector<16xi32>
      %add3A_231 = arith.addi %mul3A_112, %add3A_230 : vector<16xi32>
      %gather3A_232 = tpu.vector_load_idx %arg12[%add3A_93, %add3A_231] : memref<32x1470xf32, #tpu.memory_space<vmem>>[vector<16xi32>, vector<16xi32>], vector<16xf32>,
      %div3A_233 = arith.constant 2.000000e+00 : f32
      %div3A_234 = vector.broadcast %div3A_233 : f32 to vector<16xf32>
      %div3A_235 = arith.divf %gather3A_124, %div3A_234 : vector<16xf32>
      %sub3A_236 = arith.subf %gather3A_116, %div3A_235 : vector<16xf32>
      %div3A_237 = arith.constant 2.000000e+00 : f32
      %div3A_238 = vector.broadcast %div3A_237 : f32 to vector<16xf32>
      %div3A_239 = arith.divf %gather3A_128, %div3A_238 : vector<16xf32>
      %sub3A_240 = arith.subf %gather3A_120, %div3A_239 : vector<16xf32>
      %div3A_241 = arith.constant 2.000000e+00 : f32
      %div3A_242 = vector.broadcast %div3A_241 : f32 to vector<16xf32>
      %div3A_243 = arith.divf %gather3A_124, %div3A_242 : vector<16xf32>
      %add3A_244 = arith.addf %gather3A_116, %div3A_243 : vector<16xf32>
      %div3A_245 = arith.constant 2.000000e+00 : f32
      %div3A_246 = vector.broadcast %div3A_245 : f32 to vector<16xf32>
      %div3A_247 = arith.divf %gather3A_128, %div3A_246 : vector<16xf32>
      %add3A_248 = arith.addf %gather3A_120, %div3A_247 : vector<16xf32>
      %div3A_249 = arith.constant 2.000000e+00 : f32
      %div3A_250 = vector.broadcast %div3A_249 : f32 to vector<16xf32>
      %div3A_251 = arith.divf %gather3A_144, %div3A_250 : vector<16xf32>
      %sub3A_252 = arith.subf %gather3A_136, %div3A_251 : vector<16xf32>
      %div3A_253 = arith.constant 2.000000e+00 : f32
      %div3A_254 = vector.broadcast %div3A_253 : f32 to vector<16xf32>
      %div3A_255 = arith.divf %gather3A_148, %div3A_254 : vector<16xf32>
      %sub3A_256 = arith.subf %gather3A_140, %div3A_255 : vector<16xf32>
      %div3A_257 = arith.constant 2.000000e+00 : f32
      %div3A_258 = vector.broadcast %div3A_257 : f32 to vector<16xf32>
      %div3A_259 = arith.divf %gather3A_144, %div3A_258 : vector<16xf32>
      %add3A_260 = arith.addf %gather3A_136, %div3A_259 : vector<16xf32>
      %div3A_261 = arith.constant 2.000000e+00 : f32
      %div3A_262 = vector.broadcast %div3A_261 : f32 to vector<16xf32>
      %div3A_263 = arith.divf %gather3A_148, %div3A_262 : vector<16xf32>
      %add3A_264 = arith.addf %gather3A_140, %div3A_263 : vector<16xf32>
      %div3A_265 = arith.constant 2.000000e+00 : f32
      %div3A_266 = vector.broadcast %div3A_265 : f32 to vector<16xf32>
      %div3A_267 = arith.divf %gather3A_95, %div3A_266 : vector<16xf32>
      %sub3A_268 = arith.subf %gather3A, %div3A_267 : vector<16xf32>
      %div3A_269 = arith.constant 2.000000e+00 : f32
      %div3A_270 = vector.broadcast %div3A_269 : f32 to vector<16xf32>
      %div3A_271 = arith.divf %gather3A_96, %div3A_270 : vector<16xf32>
      %sub3A_272 = arith.subf %gather3A_94, %div3A_271 : vector<16xf32>
      %div3A_273 = arith.constant 2.000000e+00 : f32
      %div3A_274 = vector.broadcast %div3A_273 : f32 to vector<16xf32>
      %div3A_275 = arith.divf %gather3A_95, %div3A_274 : vector<16xf32>
      %add3A_276 = arith.addf %gather3A, %div3A_275 : vector<16xf32>
      %div3A_277 = arith.constant 2.000000e+00 : f32
      %div3A_278 = vector.broadcast %div3A_277 : f32 to vector<16xf32>
      %div3A_279 = arith.divf %gather3A_96, %div3A_278 : vector<16xf32>
      %add3A_280 = arith.addf %gather3A_94, %div3A_279 : vector<16xf32>
      %broadcast_in_dim3A_281 = arith.constant 0.000000e+00 : f32
      %broadcast_in_dim3A_282 = vector.broadcast %broadcast_in_dim3A_281 : f32 to vector<16xf32>
      %div3A_283 = arith.constant 2.000000e+00 : f32
      %div3A_284 = vector.broadcast %div3A_283 : f32 to vector<16xf32>
      %div3A_285 = arith.divf %gather3A, %div3A_284 : vector<16xf32>
      %sub3A_286 = arith.subf %broadcast_in_dim3A_282, %div3A_285 : vector<16xf32>
      %div3A_287 = arith.constant 2.000000e+00 : f32
      %div3A_288 = vector.broadcast %div3A_287 : f32 to vector<16xf32>
      %div3A_289 = arith.divf %gather3A_94, %div3A_288 : vector<16xf32>
      %sub3A_290 = arith.subf %broadcast_in_dim3A_282, %div3A_289 : vector<16xf32>
      %div3A_291 = arith.constant 2.000000e+00 : f32
      %div3A_292 = vector.broadcast %div3A_291 : f32 to vector<16xf32>
      %div3A_293 = arith.divf %gather3A, %div3A_292 : vector<16xf32>
      %add3A_294 = arith.addf %broadcast_in_dim3A_282, %div3A_293 : vector<16xf32>
      %div3A_295 = arith.constant 2.000000e+00 : f32
      %div3A_296 = vector.broadcast %div3A_295 : f32 to vector<16xf32>
      %div3A_297 = arith.divf %gather3A_94, %div3A_296 : vector<16xf32>
      %add3A_298 = arith.addf %broadcast_in_dim3A_282, %div3A_297 : vector<16xf32>
      %max3A = arith.maximumf %sub3A_236, %sub3A_268 : vector<16xf32>
      %max3A_299 = arith.maximumf %sub3A_240, %sub3A_272 : vector<16xf32>
      %min3A = arith.minimumf %add3A_244, %add3A_276 : vector<16xf32>
      %min3A_300 = arith.minimumf %add3A_248, %add3A_280 : vector<16xf32>
      %sub3A_301 = arith.subf %min3A, %max3A : vector<16xf32>
      %max3A_302 = arith.constant 0.000000e+00 : f32
      %max3A_303 = vector.broadcast %max3A_302 : f32 to vector<16xf32>
      %max3A_304 = arith.maximumf %sub3A_301, %max3A_303 : vector<16xf32>
      %sub3A_305 = arith.subf %min3A_300, %max3A_299 : vector<16xf32>
      %max3A_306 = arith.constant 0.000000e+00 : f32
      %max3A_307 = vector.broadcast %max3A_306 : f32 to vector<16xf32>
      %max3A_308 = arith.maximumf %sub3A_305, %max3A_307 : vector<16xf32>
      %mul3A_309 = arith.mulf %max3A_304, %max3A_308 : vector<16xf32>
      %sub3A_310 = arith.subf %add3A_244, %sub3A_236 : vector<16xf32>
      %sub3A_311 = arith.subf %add3A_248, %sub3A_240 : vector<16xf32>
      %mul3A_312 = arith.mulf %sub3A_310, %sub3A_311 : vector<16xf32>
      %sub3A_313 = arith.subf %add3A_276, %sub3A_268 : vector<16xf32>
      %sub3A_314 = arith.subf %add3A_280, %sub3A_272 : vector<16xf32>
      %mul3A_315 = arith.mulf %sub3A_313, %sub3A_314 : vector<16xf32>
      %add3A_316 = arith.addf %mul3A_312, %mul3A_315 : vector<16xf32>
      %sub3A_317 = arith.subf %add3A_316, %mul3A_309 : vector<16xf32>
      %div3A_318 = arith.divf %mul3A_309, %sub3A_317 : vector<16xf32>
      %max3A_319 = arith.maximumf %sub3A_252, %sub3A_268 : vector<16xf32>
      %max3A_320 = arith.maximumf %sub3A_256, %sub3A_272 : vector<16xf32>
      %min3A_321 = arith.minimumf %add3A_260, %add3A_276 : vector<16xf32>
      %min3A_322 = arith.minimumf %add3A_264, %add3A_280 : vector<16xf32>
      %sub3A_323 = arith.subf %min3A_321, %max3A_319 : vector<16xf32>
      %max3A_324 = arith.constant 0.000000e+00 : f32
      %max3A_325 = vector.broadcast %max3A_324 : f32 to vector<16xf32>
      %max3A_326 = arith.maximumf %sub3A_323, %max3A_325 : vector<16xf32>
      %sub3A_327 = arith.subf %min3A_322, %max3A_320 : vector<16xf32>
      %max3A_328 = arith.constant 0.000000e+00 : f32
      %max3A_329 = vector.broadcast %max3A_328 : f32 to vector<16xf32>
      %max3A_330 = arith.maximumf %sub3A_327, %max3A_329 : vector<16xf32>
      %mul3A_331 = arith.mulf %max3A_326, %max3A_330 : vector<16xf32>
      %sub3A_332 = arith.subf %add3A_260, %sub3A_252 : vector<16xf32>
      %sub3A_333 = arith.subf %add3A_264, %sub3A_256 : vector<16xf32>
      %mul3A_334 = arith.mulf %sub3A_332, %sub3A_333 : vector<16xf32>
      %sub3A_335 = arith.subf %add3A_276, %sub3A_268 : vector<16xf32>
      %sub3A_336 = arith.subf %add3A_280, %sub3A_272 : vector<16xf32>
      %mul3A_337 = arith.mulf %sub3A_335, %sub3A_336 : vector<16xf32>
      %add3A_338 = arith.addf %mul3A_334, %mul3A_337 : vector<16xf32>
      %sub3A_339 = arith.subf %add3A_338, %mul3A_331 : vector<16xf32>
      %div3A_340 = arith.divf %mul3A_331, %sub3A_339 : vector<16xf32>
      %max3A_341 = arith.maximumf %sub3A_236, %sub3A_286 : vector<16xf32>
      %max3A_342 = arith.maximumf %sub3A_240, %sub3A_290 : vector<16xf32>
      %min3A_343 = arith.minimumf %add3A_244, %add3A_294 : vector<16xf32>
      %min3A_344 = arith.minimumf %add3A_248, %add3A_298 : vector<16xf32>
      %sub3A_345 = arith.subf %min3A_343, %max3A_341 : vector<16xf32>
      %max3A_346 = arith.constant 0.000000e+00 : f32
      %max3A_347 = vector.broadcast %max3A_346 : f32 to vector<16xf32>
      %max3A_348 = arith.maximumf %sub3A_345, %max3A_347 : vector<16xf32>
      %sub3A_349 = arith.subf %min3A_344, %max3A_342 : vector<16xf32>
      %max3A_350 = arith.constant 0.000000e+00 : f32
      %max3A_351 = vector.broadcast %max3A_350 : f32 to vector<16xf32>
      %max3A_352 = arith.maximumf %sub3A_349, %max3A_351 : vector<16xf32>
      %mul3A_353 = arith.mulf %max3A_348, %max3A_352 : vector<16xf32>
      %sub3A_354 = arith.subf %add3A_244, %sub3A_236 : vector<16xf32>
      %sub3A_355 = arith.subf %add3A_248, %sub3A_240 : vector<16xf32>
      %mul3A_356 = arith.mulf %sub3A_354, %sub3A_355 : vector<16xf32>
      %sub3A_357 = arith.subf %add3A_294, %sub3A_286 : vector<16xf32>
      %sub3A_358 = arith.subf %add3A_298, %sub3A_290 : vector<16xf32>
      %mul3A_359 = arith.mulf %sub3A_357, %sub3A_358 : vector<16xf32>
      %add3A_360 = arith.addf %mul3A_356, %mul3A_359 : vector<16xf32>
      %sub3A_361 = arith.subf %add3A_360, %mul3A_353 : vector<16xf32>
      %div3A_362 = arith.divf %mul3A_353, %sub3A_361 : vector<16xf32>
      %max3A_363 = arith.maximumf %sub3A_252, %sub3A_286 : vector<16xf32>
      %max3A_364 = arith.maximumf %sub3A_256, %sub3A_290 : vector<16xf32>
      %min3A_365 = arith.minimumf %add3A_260, %add3A_294 : vector<16xf32>
      %min3A_366 = arith.minimumf %add3A_264, %add3A_298 : vector<16xf32>
      %sub3A_367 = arith.subf %min3A_365, %max3A_363 : vector<16xf32>
      %max3A_368 = arith.constant 0.000000e+00 : f32
      %max3A_369 = vector.broadcast %max3A_368 : f32 to vector<16xf32>
      %max3A_370 = arith.maximumf %sub3A_367, %max3A_369 : vector<16xf32>
      %sub3A_371 = arith.subf %min3A_366, %max3A_364 : vector<16xf32>
      %max3A_372 = arith.constant 0.000000e+00 : f32
      %max3A_373 = vector.broadcast %max3A_372 : f32 to vector<16xf32>
      %max3A_374 = arith.maximumf %sub3A_371, %max3A_373 : vector<16xf32>
      %mul3A_375 = arith.mulf %max3A_370, %max3A_374 : vector<16xf32>
      %sub3A_376 = arith.subf %add3A_260, %sub3A_252 : vector<16xf32>
      %sub3A_377 = arith.subf %add3A_264, %sub3A_256 : vector<16xf32>
      %mul3A_378 = arith.mulf %sub3A_376, %sub3A_377 : vector<16xf32>
      %sub3A_379 = arith.subf %add3A_294, %sub3A_286 : vector<16xf32>
      %sub3A_380 = arith.subf %add3A_298, %sub3A_290 : vector<16xf32>
      %mul3A_381 = arith.mulf %sub3A_379, %sub3A_380 : vector<16xf32>
      %add3A_382 = arith.addf %mul3A_378, %mul3A_381 : vector<16xf32>
      %sub3A_383 = arith.subf %add3A_382, %mul3A_375 : vector<16xf32>
      %div3A_384 = arith.divf %mul3A_375, %sub3A_383 : vector<16xf32>
      %gt3A = arith.cmpf ogt, %div3A_340, %div3A_318 : vector<16xf32>
      %ne3A_385 = arith.cmpf one, %div3A_340, %div3A_340 : vector<16xf32>
      %ne3A_386 = arith.cmpf one, %div3A_318, %div3A_318 : vector<16xf32>
      %not3A = arith.constant dense<true> : vector<16xi1>
      %not3A_387 = arith.xori %ne3A_386, %not3A : vector<16xi1>
      %and3A_388 = arith.andi %ne3A_385, %not3A_387 : vector<16xi1>
      %or3A = arith.ori %gt3A, %and3A_388 : vector<16xi1>
      %gt3A_389 = arith.cmpf ogt, %div3A_384, %div3A_362 : vector<16xf32>
      %ne3A_390 = arith.cmpf one, %div3A_384, %div3A_384 : vector<16xf32>
      %ne3A_391 = arith.cmpf one, %div3A_362, %div3A_362 : vector<16xf32>
      %not3A_392 = arith.constant dense<true> : vector<16xi1>
      %not3A_393 = arith.xori %ne3A_391, %not3A_392 : vector<16xi1>
      %and3A_394 = arith.andi %ne3A_390, %not3A_393 : vector<16xi1>
      %or3A_395 = arith.ori %gt3A_389, %and3A_394 : vector<16xi1>
      %not3A_396 = arith.constant dense<true> : vector<16xi1>
      %not3A_397 = arith.xori %or3A, %not3A_396 : vector<16xi1>
      %not3A_398 = arith.constant dense<true> : vector<16xi1>
      %not3A_399 = arith.xori %or3A_395, %not3A_398 : vector<16xi1>
      %or3A_400 = arith.ori %not3A_397, %not3A_399 : vector<16xi1>
      %jit3A_401 = arith.constant 0.000000e+00 : f32
      %broadcast_in_dim3A_402 = vector.broadcast %jit3A_401 : f32 to vector<16xf32>
      %select_n3A_403 = arith.select %or3A_400, %select_n3A_105, %broadcast_in_dim3A_402 : vector<16xi1>, vector<16xf32>
      %or3A_404 = arith.ori %or3A, %or3A_395 : vector<16xi1>
      %jit3A_405 = arith.constant 0.000000e+00 : f32
      %broadcast_in_dim3A_406 = vector.broadcast %jit3A_405 : f32 to vector<16xf32>
      %select_n3A_407 = arith.select %or3A_404, %select_n3A_105, %broadcast_in_dim3A_406 : vector<16xi1>, vector<16xf32>
      %broadcast_in_dim3A_408 = arith.constant 1.000000e+00 : f32
      %broadcast_in_dim3A_409 = vector.broadcast %broadcast_in_dim3A_408 : f32 to vector<16xf32>
      %max3A_410 = arith.constant 0.000000e+00 : f32
      %max3A_411 = vector.broadcast %max3A_410 : f32 to vector<16xf32>
      %max3A_412 = arith.maximumf %gather3A_132, %max3A_411 : vector<16xf32>
      %mul3A_413 = arith.mulf %gather3A_132, %broadcast_in_dim3A_409 : vector<16xf32>
      %sub3A_414 = arith.subf %max3A_412, %mul3A_413 : vector<16xf32>
      %abs3A = math.absf %gather3A_132 : vector<16xf32>
      %neg3A = arith.constant 0.000000e+00 : f32
      %neg3A_415 = vector.broadcast %neg3A : f32 to vector<16xf32>
      %neg3A_416 = arith.subf %neg3A_415, %abs3A : vector<16xf32>
      %exp3A = math.exp %neg3A_416 : vector<16xf32>
      %add3A_417 = arith.constant 1.000000e+00 : f32
      %add3A_418 = vector.broadcast %add3A_417 : f32 to vector<16xf32>
      %add3A_419 = arith.addf %add3A_418, %exp3A : vector<16xf32>
      %bitcast_convert_type3A = tpu.bitcast %add3A_419 : vector<16xf32> -> vector<16xi32>
      %shift_right_arithmetic3A = arith.constant 23 : i32
      %shift_right_arithmetic3A_420 = vector.broadcast %shift_right_arithmetic3A : i32 to vector<16xi32>
      %shift_right_arithmetic3A_421 = arith.shrsi %bitcast_convert_type3A, %shift_right_arithmetic3A_420 : vector<16xi32>
      %and3A_422 = arith.constant 255 : i32
      %and3A_423 = vector.broadcast %and3A_422 : i32 to vector<16xi32>
      %and3A_424 = arith.andi %shift_right_arithmetic3A_421, %and3A_423 : vector<16xi32>
      %sub3A_425 = arith.constant 126 : i32
      %sub3A_426 = vector.broadcast %sub3A_425 : i32 to vector<16xi32>
      %sub3A_427 = arith.subi %and3A_424, %sub3A_426 : vector<16xi32>
      %and3A_428 = arith.constant 8388607 : i32
      %and3A_429 = vector.broadcast %and3A_428 : i32 to vector<16xi32>
      %and3A_430 = arith.andi %bitcast_convert_type3A, %and3A_429 : vector<16xi32>
      %or3A_431 = arith.constant 1056964608 : i32
      %or3A_432 = vector.broadcast %or3A_431 : i32 to vector<16xi32>
      %or3A_433 = arith.ori %and3A_430, %or3A_432 : vector<16xi32>
      %bitcast_convert_type3A_434 = tpu.bitcast %or3A_433 : vector<16xi32> -> vector<16xf32>
      %sub3A_435 = arith.constant 1.000000e+00 : f32
      %sub3A_436 = vector.broadcast %sub3A_435 : f32 to vector<16xf32>
      %sub3A_437 = arith.subf %bitcast_convert_type3A_434, %sub3A_436 : vector<16xf32>
      %add3A_438 = arith.constant 1.000000e+00 : f32
      %add3A_439 = vector.broadcast %add3A_438 : f32 to vector<16xf32>
      %add3A_440 = arith.addf %bitcast_convert_type3A_434, %add3A_439 : vector<16xf32>
      %div3A_441 = arith.divf %sub3A_437, %add3A_440 : vector<16xf32>
      %mul3A_442 = arith.mulf %div3A_441, %div3A_441 : vector<16xf32>
      %mul3A_443 = arith.constant 0.111111112 : f32
      %mul3A_444 = vector.broadcast %mul3A_443 : f32 to vector<16xf32>
      %mul3A_445 = arith.mulf %mul3A_442, %mul3A_444 : vector<16xf32>
      %add3A_446 = arith.constant 0.142857149 : f32
      %add3A_447 = vector.broadcast %add3A_446 : f32 to vector<16xf32>
      %add3A_448 = arith.addf %add3A_447, %mul3A_445 : vector<16xf32>
      %mul3A_449 = arith.mulf %mul3A_442, %add3A_448 : vector<16xf32>
      %add3A_450 = arith.constant 2.000000e-01 : f32
      %add3A_451 = vector.broadcast %add3A_450 : f32 to vector<16xf32>
      %add3A_452 = arith.addf %add3A_451, %mul3A_449 : vector<16xf32>
      %mul3A_453 = arith.mulf %mul3A_442, %add3A_452 : vector<16xf32>
      %add3A_454 = arith.constant 0.333333343 : f32
      %add3A_455 = vector.broadcast %add3A_454 : f32 to vector<16xf32>
      %add3A_456 = arith.addf %add3A_455, %mul3A_453 : vector<16xf32>
      %mul3A_457 = arith.mulf %mul3A_442, %add3A_456 : vector<16xf32>
      %add3A_458 = arith.constant 1.000000e+00 : f32
      %add3A_459 = vector.broadcast %add3A_458 : f32 to vector<16xf32>
      %add3A_460 = arith.addf %add3A_459, %mul3A_457 : vector<16xf32>
      %convert_element_type3A = arith.sitofp %sub3A_427 : vector<16xi32> to vector<16xf32>
      %mul3A_461 = arith.constant 0.693147182 : f32
      %mul3A_462 = vector.broadcast %mul3A_461 : f32 to vector<16xf32>
      %mul3A_463 = arith.mulf %convert_element_type3A, %mul3A_462 : vector<16xf32>
      %mul3A_464 = arith.constant 2.000000e+00 : f32
      %mul3A_465 = vector.broadcast %mul3A_464 : f32 to vector<16xf32>
      %mul3A_466 = arith.mulf %mul3A_465, %div3A_441 : vector<16xf32>
      %mul3A_467 = arith.mulf %mul3A_466, %add3A_460 : vector<16xf32>
      %add3A_468 = arith.addf %mul3A_463, %mul3A_467 : vector<16xf32>
      %add3A_469 = arith.addf %sub3A_414, %add3A_468 : vector<16xf32>
      %mul3A_470 = arith.mulf %select_n3A_403, %add3A_469 : vector<16xf32>
      %max3A_471 = arith.constant 0.000000e+00 : f32
      %max3A_472 = vector.broadcast %max3A_471 : f32 to vector<16xf32>
      %max3A_473 = arith.maximumf %gather3A_152, %max3A_472 : vector<16xf32>
      %mul3A_474 = arith.mulf %gather3A_152, %gather3A_95 : vector<16xf32>
      %sub3A_475 = arith.subf %max3A_473, %mul3A_474 : vector<16xf32>
      %abs3A_476 = math.absf %gather3A_152 : vector<16xf32>
      %neg3A_477 = arith.constant 0.000000e+00 : f32
      %neg3A_478 = vector.broadcast %neg3A_477 : f32 to vector<16xf32>
      %neg3A_479 = arith.subf %neg3A_478, %abs3A_476 : vector<16xf32>
      %exp3A_480 = math.exp %neg3A_479 : vector<16xf32>
      %add3A_481 = arith.constant 1.000000e+00 : f32
      %add3A_482 = vector.broadcast %add3A_481 : f32 to vector<16xf32>
      %add3A_483 = arith.addf %add3A_482, %exp3A_480 : vector<16xf32>
      %bitcast_convert_type3A_484 = tpu.bitcast %add3A_483 : vector<16xf32> -> vector<16xi32>
      %shift_right_arithmetic3A_485 = arith.constant 23 : i32
      %shift_right_arithmetic3A_486 = vector.broadcast %shift_right_arithmetic3A_485 : i32 to vector<16xi32>
      %shift_right_arithmetic3A_487 = arith.shrsi %bitcast_convert_type3A_484, %shift_right_arithmetic3A_486 : vector<16xi32>
      %and3A_488 = arith.constant 255 : i32
      %and3A_489 = vector.broadcast %and3A_488 : i32 to vector<16xi32>
      %and3A_490 = arith.andi %shift_right_arithmetic3A_487, %and3A_489 : vector<16xi32>
      %sub3A_491 = arith.constant 126 : i32
      %sub3A_492 = vector.broadcast %sub3A_491 : i32 to vector<16xi32>
      %sub3A_493 = arith.subi %and3A_490, %sub3A_492 : vector<16xi32>
      %and3A_494 = arith.constant 8388607 : i32
      %and3A_495 = vector.broadcast %and3A_494 : i32 to vector<16xi32>
      %and3A_496 = arith.andi %bitcast_convert_type3A_484, %and3A_495 : vector<16xi32>
      %or3A_497 = arith.constant 1056964608 : i32
      %or3A_498 = vector.broadcast %or3A_497 : i32 to vector<16xi32>
      %or3A_499 = arith.ori %and3A_496, %or3A_498 : vector<16xi32>
      %bitcast_convert_type3A_500 = tpu.bitcast %or3A_499 : vector<16xi32> -> vector<16xf32>
      %sub3A_501 = arith.constant 1.000000e+00 : f32
      %sub3A_502 = vector.broadcast %sub3A_501 : f32 to vector<16xf32>
      %sub3A_503 = arith.subf %bitcast_convert_type3A_500, %sub3A_502 : vector<16xf32>
      %add3A_504 = arith.constant 1.000000e+00 : f32
      %add3A_505 = vector.broadcast %add3A_504 : f32 to vector<16xf32>
      %add3A_506 = arith.addf %bitcast_convert_type3A_500, %add3A_505 : vector<16xf32>
      %div3A_507 = arith.divf %sub3A_503, %add3A_506 : vector<16xf32>
      %mul3A_508 = arith.mulf %div3A_507, %div3A_507 : vector<16xf32>
      %mul3A_509 = arith.constant 0.111111112 : f32
      %mul3A_510 = vector.broadcast %mul3A_509 : f32 to vector<16xf32>
      %mul3A_511 = arith.mulf %mul3A_508, %mul3A_510 : vector<16xf32>
      %add3A_512 = arith.constant 0.142857149 : f32
      %add3A_513 = vector.broadcast %add3A_512 : f32 to vector<16xf32>
      %add3A_514 = arith.addf %add3A_513, %mul3A_511 : vector<16xf32>
      %mul3A_515 = arith.mulf %mul3A_508, %add3A_514 : vector<16xf32>
      %add3A_516 = arith.constant 2.000000e-01 : f32
      %add3A_517 = vector.broadcast %add3A_516 : f32 to vector<16xf32>
      %add3A_518 = arith.addf %add3A_517, %mul3A_515 : vector<16xf32>
      %mul3A_519 = arith.mulf %mul3A_508, %add3A_518 : vector<16xf32>
      %add3A_520 = arith.constant 0.333333343 : f32
      %add3A_521 = vector.broadcast %add3A_520 : f32 to vector<16xf32>
      %add3A_522 = arith.addf %add3A_521, %mul3A_519 : vector<16xf32>
      %mul3A_523 = arith.mulf %mul3A_508, %add3A_522 : vector<16xf32>
      %add3A_524 = arith.constant 1.000000e+00 : f32
      %add3A_525 = vector.broadcast %add3A_524 : f32 to vector<16xf32>
      %add3A_526 = arith.addf %add3A_525, %mul3A_523 : vector<16xf32>
      %convert_element_type3A_527 = arith.sitofp %sub3A_493 : vector<16xi32> to vector<16xf32>
      %mul3A_528 = arith.constant 0.693147182 : f32
      %mul3A_529 = vector.broadcast %mul3A_528 : f32 to vector<16xf32>
      %mul3A_530 = arith.mulf %convert_element_type3A_527, %mul3A_529 : vector<16xf32>
      %mul3A_531 = arith.constant 2.000000e+00 : f32
      %mul3A_532 = vector.broadcast %mul3A_531 : f32 to vector<16xf32>
      %mul3A_533 = arith.mulf %mul3A_532, %div3A_507 : vector<16xf32>
      %mul3A_534 = arith.mulf %mul3A_533, %add3A_526 : vector<16xf32>
      %add3A_535 = arith.addf %mul3A_530, %mul3A_534 : vector<16xf32>
      %add3A_536 = arith.addf %sub3A_475, %add3A_535 : vector<16xf32>
      %mul3A_537 = arith.mulf %select_n3A_407, %add3A_536 : vector<16xf32>
      %add3A_538 = arith.addf %mul3A_470, %mul3A_537 : vector<16xf32>
      %sub3A_539 = arith.subf %gather3A_116, %gather3A : vector<16xf32>
      %mul3A_540 = arith.mulf %sub3A_539, %sub3A_539 : vector<16xf32>
      %sub3A_541 = arith.subf %gather3A_120, %gather3A_94 : vector<16xf32>
      %mul3A_542 = arith.mulf %sub3A_541, %sub3A_541 : vector<16xf32>
      %add3A_543 = arith.addf %mul3A_540, %mul3A_542 : vector<16xf32>
      %sub3A_544 = arith.subf %gather3A_124, %gather3A_95 : vector<16xf32>
      %mul3A_545 = arith.mulf %sub3A_544, %sub3A_544 : vector<16xf32>
      %add3A_546 = arith.addf %add3A_543, %mul3A_545 : vector<16xf32>
      %sub3A_547 = arith.subf %gather3A_128, %gather3A_96 : vector<16xf32>
      %mul3A_548 = arith.mulf %sub3A_547, %sub3A_547 : vector<16xf32>
      %add3A_549 = arith.addf %add3A_546, %mul3A_548 : vector<16xf32>
      %mul3A_550 = arith.mulf %select_n3A_403, %add3A_549 : vector<16xf32>
      %mul3A_551 = arith.mulf %gather3A_136, %gather3A_136 : vector<16xf32>
      %mul3A_552 = arith.mulf %gather3A_140, %gather3A_140 : vector<16xf32>
      %add3A_553 = arith.addf %mul3A_551, %mul3A_552 : vector<16xf32>
      %sub3A_554 = arith.subf %gather3A_144, %gather3A : vector<16xf32>
      %mul3A_555 = arith.mulf %sub3A_554, %sub3A_554 : vector<16xf32>
      %add3A_556 = arith.addf %add3A_553, %mul3A_555 : vector<16xf32>
      %sub3A_557 = arith.subf %gather3A_148, %gather3A_94 : vector<16xf32>
      %mul3A_558 = arith.mulf %sub3A_557, %sub3A_557 : vector<16xf32>
      %add3A_559 = arith.addf %add3A_556, %mul3A_558 : vector<16xf32>
      %mul3A_560 = arith.mulf %select_n3A_407, %add3A_559 : vector<16xf32>
      %add3A_561 = arith.addf %mul3A_550, %mul3A_560 : vector<16xf32>
      %max3A_562 = arith.maximumf %gather3A_156, %gather3A_160 : vector<16xf32>
      %max3A_563 = arith.maximumf %max3A_562, %gather3A_164 : vector<16xf32>
      %max3A_564 = arith.maximumf %max3A_563, %gather3A_168 : vector<16xf32>
      %max3A_565 = arith.maximumf %max3A_564, %gather3A_172 : vector<16xf32>
      %max3A_566 = arith.maximumf %max3A_565, %gather3A_176 : vector<16xf32>
      %max3A_567 = arith.maximumf %max3A_566, %gather3A_180 : vector<16xf32>
      %max3A_568 = arith.maximumf %max3A_567, %gather3A_184 : vector<16xf32>
      %max3A_569 = arith.maximumf %max3A_568, %gather3A_188 : vector<16xf32>
      %max3A_570 = arith.maximumf %max3A_569, %gather3A_192 : vector<16xf32>
      %max3A_571 = arith.maximumf %max3A_570, %gather3A_196 : vector<16xf32>
      %max3A_572 = arith.maximumf %max3A_571, %gather3A_200 : vector<16xf32>
      %max3A_573 = arith.maximumf %max3A_572, %gather3A_204 : vector<16xf32>
      %max3A_574 = arith.maximumf %max3A_573, %gather3A_208 : vector<16xf32>
      %max3A_575 = arith.maximumf %max3A_574, %gather3A_212 : vector<16xf32>
      %max3A_576 = arith.maximumf %max3A_575, %gather3A_216 : vector<16xf32>
      %max3A_577 = arith.maximumf %max3A_576, %gather3A_220 : vector<16xf32>
      %max3A_578 = arith.maximumf %max3A_577, %gather3A_224 : vector<16xf32>
      %max3A_579 = arith.maximumf %max3A_578, %gather3A_228 : vector<16xf32>
      %max3A_580 = arith.maximumf %max3A_579, %gather3A_232 : vector<16xf32>
      %sub3A_581 = arith.subf %gather3A_156, %max3A_580 : vector<16xf32>
      %exp3A_582 = math.exp %sub3A_581 : vector<16xf32>
      %sub3A_583 = arith.subf %gather3A_160, %max3A_580 : vector<16xf32>
      %exp3A_584 = math.exp %sub3A_583 : vector<16xf32>
      %add3A_585 = arith.addf %exp3A_582, %exp3A_584 : vector<16xf32>
      %sub3A_586 = arith.subf %gather3A_164, %max3A_580 : vector<16xf32>
      %exp3A_587 = math.exp %sub3A_586 : vector<16xf32>
      %add3A_588 = arith.addf %add3A_585, %exp3A_587 : vector<16xf32>
      %sub3A_589 = arith.subf %gather3A_168, %max3A_580 : vector<16xf32>
      %exp3A_590 = math.exp %sub3A_589 : vector<16xf32>
      %add3A_591 = arith.addf %add3A_588, %exp3A_590 : vector<16xf32>
      %sub3A_592 = arith.subf %gather3A_172, %max3A_580 : vector<16xf32>
      %exp3A_593 = math.exp %sub3A_592 : vector<16xf32>
      %add3A_594 = arith.addf %add3A_591, %exp3A_593 : vector<16xf32>
      %sub3A_595 = arith.subf %gather3A_176, %max3A_580 : vector<16xf32>
      %exp3A_596 = math.exp %sub3A_595 : vector<16xf32>
      %add3A_597 = arith.addf %add3A_594, %exp3A_596 : vector<16xf32>
      %sub3A_598 = arith.subf %gather3A_180, %max3A_580 : vector<16xf32>
      %exp3A_599 = math.exp %sub3A_598 : vector<16xf32>
      %add3A_600 = arith.addf %add3A_597, %exp3A_599 : vector<16xf32>
      %sub3A_601 = arith.subf %gather3A_184, %max3A_580 : vector<16xf32>
      %exp3A_602 = math.exp %sub3A_601 : vector<16xf32>
      %add3A_603 = arith.addf %add3A_600, %exp3A_602 : vector<16xf32>
      %sub3A_604 = arith.subf %gather3A_188, %max3A_580 : vector<16xf32>
      %exp3A_605 = math.exp %sub3A_604 : vector<16xf32>
      %add3A_606 = arith.addf %add3A_603, %exp3A_605 : vector<16xf32>
      %sub3A_607 = arith.subf %gather3A_192, %max3A_580 : vector<16xf32>
      %exp3A_608 = math.exp %sub3A_607 : vector<16xf32>
      %add3A_609 = arith.addf %add3A_606, %exp3A_608 : vector<16xf32>
      %sub3A_610 = arith.subf %gather3A_196, %max3A_580 : vector<16xf32>
      %exp3A_611 = math.exp %sub3A_610 : vector<16xf32>
      %add3A_612 = arith.addf %add3A_609, %exp3A_611 : vector<16xf32>
      %sub3A_613 = arith.subf %gather3A_200, %max3A_580 : vector<16xf32>
      %exp3A_614 = math.exp %sub3A_613 : vector<16xf32>
      %add3A_615 = arith.addf %add3A_612, %exp3A_614 : vector<16xf32>
      %sub3A_616 = arith.subf %gather3A_204, %max3A_580 : vector<16xf32>
      %exp3A_617 = math.exp %sub3A_616 : vector<16xf32>
      %add3A_618 = arith.addf %add3A_615, %exp3A_617 : vector<16xf32>
      %sub3A_619 = arith.subf %gather3A_208, %max3A_580 : vector<16xf32>
      %exp3A_620 = math.exp %sub3A_619 : vector<16xf32>
      %add3A_621 = arith.addf %add3A_618, %exp3A_620 : vector<16xf32>
      %sub3A_622 = arith.subf %gather3A_212, %max3A_580 : vector<16xf32>
      %exp3A_623 = math.exp %sub3A_622 : vector<16xf32>
      %add3A_624 = arith.addf %add3A_621, %exp3A_623 : vector<16xf32>
      %sub3A_625 = arith.subf %gather3A_216, %max3A_580 : vector<16xf32>
      %exp3A_626 = math.exp %sub3A_625 : vector<16xf32>
      %add3A_627 = arith.addf %add3A_624, %exp3A_626 : vector<16xf32>
      %sub3A_628 = arith.subf %gather3A_220, %max3A_580 : vector<16xf32>
      %exp3A_629 = math.exp %sub3A_628 : vector<16xf32>
      %add3A_630 = arith.addf %add3A_627, %exp3A_629 : vector<16xf32>
      %sub3A_631 = arith.subf %gather3A_224, %max3A_580 : vector<16xf32>
      %exp3A_632 = math.exp %sub3A_631 : vector<16xf32>
      %add3A_633 = arith.addf %add3A_630, %exp3A_632 : vector<16xf32>
      %sub3A_634 = arith.subf %gather3A_228, %max3A_580 : vector<16xf32>
      %exp3A_635 = math.exp %sub3A_634 : vector<16xf32>
      %add3A_636 = arith.addf %add3A_633, %exp3A_635 : vector<16xf32>
      %sub3A_637 = arith.subf %gather3A_232, %max3A_580 : vector<16xf32>
      %exp3A_638 = math.exp %sub3A_637 : vector<16xf32>
      %add3A_639 = arith.addf %add3A_636, %exp3A_638 : vector<16xf32>
      %bitcast_convert_type3A_640 = tpu.bitcast %add3A_639 : vector<16xf32> -> vector<16xi32>
      %shift_right_arithmetic3A_641 = arith.constant 23 : i32
      %shift_right_arithmetic3A_642 = vector.broadcast %shift_right_arithmetic3A_641 : i32 to vector<16xi32>
      %shift_right_arithmetic3A_643 = arith.shrsi %bitcast_convert_type3A_640, %shift_right_arithmetic3A_642 : vector<16xi32>
      %and3A_644 = arith.constant 255 : i32
      %and3A_645 = vector.broadcast %and3A_644 : i32 to vector<16xi32>
      %and3A_646 = arith.andi %shift_right_arithmetic3A_643, %and3A_645 : vector<16xi32>
      %sub3A_647 = arith.constant 126 : i32
      %sub3A_648 = vector.broadcast %sub3A_647 : i32 to vector<16xi32>
      %sub3A_649 = arith.subi %and3A_646, %sub3A_648 : vector<16xi32>
      %and3A_650 = arith.constant 8388607 : i32
      %and3A_651 = vector.broadcast %and3A_650 : i32 to vector<16xi32>
      %and3A_652 = arith.andi %bitcast_convert_type3A_640, %and3A_651 : vector<16xi32>
      %or3A_653 = arith.constant 1056964608 : i32
      %or3A_654 = vector.broadcast %or3A_653 : i32 to vector<16xi32>
      %or3A_655 = arith.ori %and3A_652, %or3A_654 : vector<16xi32>
      %bitcast_convert_type3A_656 = tpu.bitcast %or3A_655 : vector<16xi32> -> vector<16xf32>
      %sub3A_657 = arith.constant 1.000000e+00 : f32
      %sub3A_658 = vector.broadcast %sub3A_657 : f32 to vector<16xf32>
      %sub3A_659 = arith.subf %bitcast_convert_type3A_656, %sub3A_658 : vector<16xf32>
      %add3A_660 = arith.constant 1.000000e+00 : f32
      %add3A_661 = vector.broadcast %add3A_660 : f32 to vector<16xf32>
      %add3A_662 = arith.addf %bitcast_convert_type3A_656, %add3A_661 : vector<16xf32>
      %div3A_663 = arith.divf %sub3A_659, %add3A_662 : vector<16xf32>
      %mul3A_664 = arith.mulf %div3A_663, %div3A_663 : vector<16xf32>
      %mul3A_665 = arith.constant 0.111111112 : f32
      %mul3A_666 = vector.broadcast %mul3A_665 : f32 to vector<16xf32>
      %mul3A_667 = arith.mulf %mul3A_664, %mul3A_666 : vector<16xf32>
      %add3A_668 = arith.constant 0.142857149 : f32
      %add3A_669 = vector.broadcast %add3A_668 : f32 to vector<16xf32>
      %add3A_670 = arith.addf %add3A_669, %mul3A_667 : vector<16xf32>
      %mul3A_671 = arith.mulf %mul3A_664, %add3A_670 : vector<16xf32>
      %add3A_672 = arith.constant 2.000000e-01 : f32
      %add3A_673 = vector.broadcast %add3A_672 : f32 to vector<16xf32>
      %add3A_674 = arith.addf %add3A_673, %mul3A_671 : vector<16xf32>
      %mul3A_675 = arith.mulf %mul3A_664, %add3A_674 : vector<16xf32>
      %add3A_676 = arith.constant 0.333333343 : f32
      %add3A_677 = vector.broadcast %add3A_676 : f32 to vector<16xf32>
      %add3A_678 = arith.addf %add3A_677, %mul3A_675 : vector<16xf32>
      %mul3A_679 = arith.mulf %mul3A_664, %add3A_678 : vector<16xf32>
      %add3A_680 = arith.constant 1.000000e+00 : f32
      %add3A_681 = vector.broadcast %add3A_680 : f32 to vector<16xf32>
      %add3A_682 = arith.addf %add3A_681, %mul3A_679 : vector<16xf32>
      %convert_element_type3A_683 = arith.sitofp %sub3A_649 : vector<16xi32> to vector<16xf32>
      %mul3A_684 = arith.constant 0.693147182 : f32
      %mul3A_685 = vector.broadcast %mul3A_684 : f32 to vector<16xf32>
      %mul3A_686 = arith.mulf %convert_element_type3A_683, %mul3A_685 : vector<16xf32>
      %mul3A_687 = arith.constant 2.000000e+00 : f32
      %mul3A_688 = vector.broadcast %mul3A_687 : f32 to vector<16xf32>
      %mul3A_689 = arith.mulf %mul3A_688, %div3A_663 : vector<16xf32>
      %mul3A_690 = arith.mulf %mul3A_689, %add3A_682 : vector<16xf32>
      %add3A_691 = arith.addf %mul3A_686, %mul3A_690 : vector<16xf32>
      %convert_element_type3A_692 = arith.fptosi %gather3A_96 : vector<16xf32> to vector<16xi32>
      %eq3A_693 = arith.constant 0 : i32
      %eq3A_694 = vector.broadcast %eq3A_693 : i32 to vector<16xi32>
      %eq3A_695 = arith.cmpi eq, %convert_element_type3A_692, %eq3A_694 : vector<16xi32>
      %eq3A_696 = arith.constant 1 : i32
      %eq3A_697 = vector.broadcast %eq3A_696 : i32 to vector<16xi32>
      %eq3A_698 = arith.cmpi eq, %convert_element_type3A_692, %eq3A_697 : vector<16xi32>
      %select_n3A_699 = arith.select %eq3A_698, %gather3A_160, %gather3A_164 : vector<16xi1>, vector<16xf32>
      %select_n3A_700 = arith.select %eq3A_695, %gather3A_156, %select_n3A_699 : vector<16xi1>, vector<16xf32>
      %sub3A_701 = arith.subf %select_n3A_700, %max3A_580 : vector<16xf32>
      %sub3A_702 = arith.subf %add3A_691, %sub3A_701 : vector<16xf32>
      %mul3A_703 = arith.mulf %select_n3A_105, %sub3A_702 : vector<16xf32>
      %add3A_704 = arith.addf %scan3A_54, %mul3A_703 : vector<16xf32>
      %add3A_705 = arith.addf %scan3A_55, %add3A_538 : vector<16xf32>
      %add3A_706 = arith.addf %scan3A_56, %add3A_561 : vector<16xf32>
      %add3A_707 = arith.addf %select_n3A_403, %select_n3A_407 : vector<16xf32>
      %add3A_708 = arith.addf %scan3A_57, %add3A_707 : vector<16xf32>
      %add3A_709 = arith.addf %scan3A_58, %select_n3A_105 : vector<16xf32>
      scf.yield %add3A_704, %add3A_705, %add3A_706, %add3A_708, %add3A_709 : vector<16xf32>, vector<16xf32>, vector<16xf32>, vector<16xf32>, vector<16xf32>
    }
    %scan3A_33 = arith.constant 20 : i32
    %swap3A = arith.constant 0 : i32
    %swap3A_34 = arith.index_cast %swap3A : i32 to index
    %swap3A_35 = arith.constant 0 : index
    %swap3A_36 = tpu.vector_load %arg13[%swap3A_34, %swap3A_35] {strides = array<i32>} : memref<5x16xf32, #tpu.memory_space<vmem>>, vector<16xf32>,
    tpu.vector_store %arg13[%swap3A_34, %swap3A_35], %scan3A_32#0 {strides = array<i32>} : memref<5x16xf32, #tpu.memory_space<vmem>>, vector<16xf32>,
    %swap3A_37 = arith.constant 1 : i32
    %swap3A_38 = arith.index_cast %swap3A_37 : i32 to index
    %swap3A_39 = arith.constant 0 : index
    %swap3A_40 = tpu.vector_load %arg13[%swap3A_38, %swap3A_39] {strides = array<i32>} : memref<5x16xf32, #tpu.memory_space<vmem>>, vector<16xf32>,
    tpu.vector_store %arg13[%swap3A_38, %swap3A_39], %scan3A_32#1 {strides = array<i32>} : memref<5x16xf32, #tpu.memory_space<vmem>>, vector<16xf32>,
    %swap3A_41 = arith.constant 2 : i32
    %swap3A_42 = arith.index_cast %swap3A_41 : i32 to index
    %swap3A_43 = arith.constant 0 : index
    %swap3A_44 = tpu.vector_load %arg13[%swap3A_42, %swap3A_43] {strides = array<i32>} : memref<5x16xf32, #tpu.memory_space<vmem>>, vector<16xf32>,
    tpu.vector_store %arg13[%swap3A_42, %swap3A_43], %scan3A_32#2 {strides = array<i32>} : memref<5x16xf32, #tpu.memory_space<vmem>>, vector<16xf32>,
    %swap3A_45 = arith.constant 3 : i32
    %swap3A_46 = arith.index_cast %swap3A_45 : i32 to index
    %swap3A_47 = arith.constant 0 : index
    %swap3A_48 = tpu.vector_load %arg13[%swap3A_46, %swap3A_47] {strides = array<i32>} : memref<5x16xf32, #tpu.memory_space<vmem>>, vector<16xf32>,
    tpu.vector_store %arg13[%swap3A_46, %swap3A_47], %scan3A_32#3 {strides = array<i32>} : memref<5x16xf32, #tpu.memory_space<vmem>>, vector<16xf32>,
    %swap3A_49 = arith.constant 4 : i32
    %swap3A_50 = arith.index_cast %swap3A_49 : i32 to index
    %swap3A_51 = arith.constant 0 : index
    %swap3A_52 = tpu.vector_load %arg13[%swap3A_50, %swap3A_51] {strides = array<i32>} : memref<5x16xf32, #tpu.memory_space<vmem>>, vector<16xf32>,
    tpu.vector_store %arg13[%swap3A_50, %swap3A_51], %scan3A_32#4 {strides = array<i32>} : memref<5x16xf32, #tpu.memory_space<vmem>>, vector<16xf32>,
    "tpu.region"() ({
      %run_scoped3A = tpu.sem_alloc : memref<!tpu.dma_semaphore, #tpu.memory_space<semaphore_mem>>
      %dma_start3A_53 = arith.constant 0 : i32
      %dma_start3A_54 = arith.constant 0 : i32
      %dma_start3A_55 = tpu.memref_slice %arg4[%add3A, %dma_start3A_53, %dma_start3A_54] : memref<32x5x16xf32, #tpu.memory_space<hbm>> -> memref<1x5x16xf32, #tpu.memory_space<hbm>>
      %dma_start3A_56 = tpu.memref_squeeze %dma_start3A_55 : memref<1x5x16xf32, #tpu.memory_space<hbm>> -> memref<5x16xf32, #tpu.memory_space<hbm>>
      %dma_start3A_57 = arith.constant 0 : i32
      %dma_start3A_58 = arith.constant 0 : i32
      %dma_start3A_59 = tpu.memref_slice %arg4[%add3A, %dma_start3A_57, %dma_start3A_58] : memref<32x5x16xf32, #tpu.memory_space<hbm>> -> memref<1x5x16xf32, #tpu.memory_space<hbm>>
      %dma_start3A_60 = tpu.memref_squeeze %dma_start3A_59 : memref<1x5x16xf32, #tpu.memory_space<hbm>> -> memref<5x16xf32, #tpu.memory_space<hbm>>
      tpu.enqueue_dma source(%arg13 : memref<5x16xf32, #tpu.memory_space<vmem>>) target(%dma_start3A_60 : memref<5x16xf32, #tpu.memory_space<hbm>>) target_semaphore(%run_scoped3A : memref<!tpu.dma_semaphore, #tpu.memory_space<semaphore_mem>>)
      %dma_wait3A_61 = arith.constant 0 : i32
      %dma_wait3A_62 = arith.constant 0 : i32
      %dma_wait3A_63 = tpu.memref_slice %arg4[%add3A, %dma_wait3A_61, %dma_wait3A_62] : memref<32x5x16xf32, #tpu.memory_space<hbm>> -> memref<1x5x16xf32, #tpu.memory_space<hbm>>
      %dma_wait3A_64 = tpu.memref_squeeze %dma_wait3A_63 : memref<1x5x16xf32, #tpu.memory_space<hbm>> -> memref<5x16xf32, #tpu.memory_space<hbm>>
      %dma_wait3A_65 = arith.constant 0 : i32
      %dma_wait3A_66 = arith.constant 0 : i32
      %dma_wait3A_67 = tpu.memref_slice %arg4[%add3A, %dma_wait3A_65, %dma_wait3A_66] : memref<32x5x16xf32, #tpu.memory_space<hbm>> -> memref<1x5x16xf32, #tpu.memory_space<hbm>>
      %dma_wait3A_68 = tpu.memref_squeeze %dma_wait3A_67 : memref<1x5x16xf32, #tpu.memory_space<hbm>> -> memref<5x16xf32, #tpu.memory_space<hbm>>
      tpu.wait_dma2 semaphore(%run_scoped3A : memref<!tpu.dma_semaphore, #tpu.memory_space<semaphore_mem>>) src(%arg13 : memref<5x16xf32, #tpu.memory_space<vmem>>) dst(%dma_wait3A_68 : memref<5x16xf32, #tpu.memory_space<hbm>>)
      tpu.yield
    }) : () -> ()
    return
  }
}

module attributes {stable_mosaic.version = 14 : i64} {
  func.func @_combine_body(%arg0: memref<32x5x16xf32, #tpu.memory_space<vmem>>, %arg1: memref<1x1xf32, #tpu.memory_space<smem>>) attributes {dimension_semantics = [], scalar_prefetch = 0 : i64, scratch_operands = 0 : i64, tpu.core_type = #tpu.core_type<tc>} {
    %get3A = arith.constant 0 : index
    %get3A_0 = arith.constant 0 : index
    %get3A_1 = arith.constant 0 : index
    %get3A_2 = vector.load %arg0[%get3A, %get3A_0, %get3A_1] : memref<32x5x16xf32, #tpu.memory_space<vmem>>, vector<32x5x16xf32>
    %slice3A = vector.extract_strided_slice %get3A_2 {offsets = [0, 0, 0], sizes = [32, 1, 16], strides = [1, 1, 1]} : vector<32x5x16xf32> to vector<32x1x16xf32>
    %squeeze3A = vector.shape_cast %slice3A : vector<32x1x16xf32> to vector<32x16xf32>
    %reduce_sum3A = vector.shape_cast %squeeze3A : vector<32x16xf32> to vector<1x32x16xf32>
    %reduce_sum3A_3 = arith.constant dense<0.000000e+00> : vector<1xf32>
    %reduce_sum3A_4 = vector.multi_reduction <add>, %reduce_sum3A, %reduce_sum3A_3 [1, 2] : vector<1x32x16xf32> to vector<1xf32>
    %reduce_sum3A_5 = vector.shape_cast %reduce_sum3A_4 : vector<1xf32> to vector<1x1x1xf32>
    %reduce_sum3A_6 = vector.extract %reduce_sum3A_5[0, 0, 0] : f32 from vector<1x1x1xf32>
    %slice3A_7 = vector.extract_strided_slice %get3A_2 {offsets = [0, 1, 0], sizes = [32, 1, 16], strides = [1, 1, 1]} : vector<32x5x16xf32> to vector<32x1x16xf32>
    %squeeze3A_8 = vector.shape_cast %slice3A_7 : vector<32x1x16xf32> to vector<32x16xf32>
    %reduce_sum3A_9 = vector.shape_cast %squeeze3A_8 : vector<32x16xf32> to vector<1x32x16xf32>
    %reduce_sum3A_10 = arith.constant dense<0.000000e+00> : vector<1xf32>
    %reduce_sum3A_11 = vector.multi_reduction <add>, %reduce_sum3A_9, %reduce_sum3A_10 [1, 2] : vector<1x32x16xf32> to vector<1xf32>
    %reduce_sum3A_12 = vector.shape_cast %reduce_sum3A_11 : vector<1xf32> to vector<1x1x1xf32>
    %reduce_sum3A_13 = vector.extract %reduce_sum3A_12[0, 0, 0] : f32 from vector<1x1x1xf32>
    %slice3A_14 = vector.extract_strided_slice %get3A_2 {offsets = [0, 2, 0], sizes = [32, 1, 16], strides = [1, 1, 1]} : vector<32x5x16xf32> to vector<32x1x16xf32>
    %squeeze3A_15 = vector.shape_cast %slice3A_14 : vector<32x1x16xf32> to vector<32x16xf32>
    %reduce_sum3A_16 = vector.shape_cast %squeeze3A_15 : vector<32x16xf32> to vector<1x32x16xf32>
    %reduce_sum3A_17 = arith.constant dense<0.000000e+00> : vector<1xf32>
    %reduce_sum3A_18 = vector.multi_reduction <add>, %reduce_sum3A_16, %reduce_sum3A_17 [1, 2] : vector<1x32x16xf32> to vector<1xf32>
    %reduce_sum3A_19 = vector.shape_cast %reduce_sum3A_18 : vector<1xf32> to vector<1x1x1xf32>
    %reduce_sum3A_20 = vector.extract %reduce_sum3A_19[0, 0, 0] : f32 from vector<1x1x1xf32>
    %slice3A_21 = vector.extract_strided_slice %get3A_2 {offsets = [0, 3, 0], sizes = [32, 1, 16], strides = [1, 1, 1]} : vector<32x5x16xf32> to vector<32x1x16xf32>
    %squeeze3A_22 = vector.shape_cast %slice3A_21 : vector<32x1x16xf32> to vector<32x16xf32>
    %reduce_sum3A_23 = vector.shape_cast %squeeze3A_22 : vector<32x16xf32> to vector<1x32x16xf32>
    %reduce_sum3A_24 = arith.constant dense<0.000000e+00> : vector<1xf32>
    %reduce_sum3A_25 = vector.multi_reduction <add>, %reduce_sum3A_23, %reduce_sum3A_24 [1, 2] : vector<1x32x16xf32> to vector<1xf32>
    %reduce_sum3A_26 = vector.shape_cast %reduce_sum3A_25 : vector<1xf32> to vector<1x1x1xf32>
    %reduce_sum3A_27 = vector.extract %reduce_sum3A_26[0, 0, 0] : f32 from vector<1x1x1xf32>
    %slice3A_28 = vector.extract_strided_slice %get3A_2 {offsets = [0, 4, 0], sizes = [32, 1, 16], strides = [1, 1, 1]} : vector<32x5x16xf32> to vector<32x1x16xf32>
    %squeeze3A_29 = vector.shape_cast %slice3A_28 : vector<32x1x16xf32> to vector<32x16xf32>
    %reduce_sum3A_30 = vector.shape_cast %squeeze3A_29 : vector<32x16xf32> to vector<1x32x16xf32>
    %reduce_sum3A_31 = arith.constant dense<0.000000e+00> : vector<1xf32>
    %reduce_sum3A_32 = vector.multi_reduction <add>, %reduce_sum3A_30, %reduce_sum3A_31 [1, 2] : vector<1x32x16xf32> to vector<1xf32>
    %reduce_sum3A_33 = vector.shape_cast %reduce_sum3A_32 : vector<1xf32> to vector<1x1x1xf32>
    %reduce_sum3A_34 = vector.extract %reduce_sum3A_33[0, 0, 0] : f32 from vector<1x1x1xf32>
    %div3A = arith.divf %reduce_sum3A_6, %reduce_sum3A_34 : f32
    %div3A_35 = arith.divf %reduce_sum3A_13, %reduce_sum3A_27 : f32
    %add3A = arith.addf %div3A, %div3A_35 : f32
    %mul3A = arith.constant 5.000000e+00 : f32
    %mul3A_36 = arith.mulf %mul3A, %reduce_sum3A_20 : f32
    %mul3A_37 = arith.constant 2.000000e+00 : f32
    %mul3A_38 = arith.mulf %mul3A_37, %reduce_sum3A_27 : f32
    %div3A_39 = arith.divf %mul3A_36, %mul3A_38 : f32
    %add3A_40 = arith.addf %add3A, %div3A_39 : f32
    %swap3A = arith.constant 0 : index
    %swap3A_41 = arith.constant 0 : index
    %swap3A_42 = memref.load %arg1[%swap3A, %swap3A_41] : memref<1x1xf32, #tpu.memory_space<smem>>
    memref.store %add3A_40, %arg1[%swap3A, %swap3A_41] : memref<1x1xf32, #tpu.memory_space<smem>>
    return
  }
}

</mosaic_0001>

<sc_bundles>
// kernel: kernel.4.cloned.1.call-start
scs
__scs_entry_jumppad:
0x0: {  	(pc) =	sbr.rel $0x88, $3  }
0x1: {  	(tag) =	ssettag $0x0;
	lr =	simm.s32 $0x1  }
0x2: {  	[smem:$0x3F9F] =	sst lr;
	_ =	strace $0xD0000000  }
0x3: {  	_ = 	snop  }
0x4: {  	_ = 	snop  }
0x5: {  	_ = 	snop  }
0x6: {  	_ = 	snop  }
0x7: {  	_ = 	snop  }
__scs_overlays_trampoline_lowered:
0x8: {  	[smem:$0x3FAE] =	sst s0  }
0x9: {  	[smem:$0x3FAF] =	sst s1  }
0xa: {  	[smem:$0x3FB0] =	sst s2  }
0xb: {  	[smem:$0x3FB1] =	sst s3  }
0xc: {  	[smem:$0x3FB2] =	sst s4  }
0xd: {  	[smem:$0x3FB3] =	sst s5  }
0xe: {  	[smem:$0x3FB4] =	sst s6  }
0xf: {  	[smem:$0x3FB5] =	sst s7  }
0x10: {  	[smem:$0x3FB6] =	sst s8  }
0x11: {  	[smem:$0x3FB7] =	sst s9;
	s0 =	simm.s32 @!p0 $0x0  }
0x12: {  	s1 =	sld [smem:$0x3F9D];
	s0 =	simm.s32 @p0 $0x1  }
0x13: {  	[smem:$0x3FB8] =	sst s0;
	s0 =	simm.s32 @!p1 $0x0  }
0x14: {  	s2 =	sld [smem:$0x3F9C];
	s0 =	simm.s32 @p1 $0x1  }
0x15: {  	[smem:$0x3FB9] =	sst s0;
	s0 =	simm.s32 @!p2 $0x0  }
0x16: {  	s3 =	sld [smem:$0x3FDB];
	s0 =	simm.s32 @p2 $0x1  }
0x17: {  	s4 =	simm.s32 $0x1BF5;
	[smem:$0x3FBB] =	sst s0  }
0x18: {  	s0 =	sld [smem:$0x3F9E];
	_ =	swait.ge [sflag:s4], $0x0  }
0x19: {  	s7 =	sld [smem:$0x3F9F]  }
0x1a: {  	s8 =	sadd.s32 $0xFFFFE003, lr  }
0x1b: {  	s9 =	sadd.s32 $0xFFFFFEF7, lr;
	s5 =	simm.s32 $0xFFFFFFFF;
	p2 =	slt.u32 s8, $0xFFFFF086  }
0x1c: {  	p1 =	slt.u32 s9, $0xF7A;
	s5 =	simm.s32 @!p2 $0x0  }
0x1d: {  	s5 =	simm.s32 @p1 $0x1;
	p0 =	seq.s32 s7, s2  }
0x1e: {  	s7 =	smul.u32 @!p0 $0xF7A, s2;
	p2 =	seq.s32 @!p0 s5, $0x0  }
0x1f: {  	s9 =	smul.u32 $0xF7A, s1;
	s8 =	simm.s32 @!p0 $0x1BF5;
	p2 =	por !p2, p0  }
0x20: {  	[sflag:s8] =	ssyncset.s32 @!p0 $0xFFFFF086;
	s6 =	sadd.s32 @!p0 s3, s7;
	s7 =	simm.s32 @!p0 $0x108  }
0x21: {  	s3 =	sadd.s32 s3, s9;
	s6 =	sadd.s32 @!p0 $0x88, s6;
	s7 =	simm.s32 @p2 $0x1082  }
0x22: {  	[simem:s7], [sflag:s8] =	dma.local @!p0 [hbm:s6], $0xF7A  }
0x23: {  	s9 =	sor.u32 $0xD0000000, s2;
	s6 =	simm.s32 $0x108;
	_ =	swait.ge @!p0 [sflag:s8], $0x0  }
0x24: {  	s3 =	sadd.s32 $0x88, s3;
	s6 =	simm.s32 @!p1 $0x1082;
	[sflag:s4] =	ssyncset.s32 $0xFFFFF086  }
0x25: {  	[simem:s6], [sflag:s4] =	dma.local [hbm:s3], $0xF7A  }
0x26: {  	[smem:$0x3F9F] =	sst s1;
	(tag) =	ssettag s2;
	_ =	strace s9  }
0x27: {  	s1 =	sld [smem:$0x3FAF]  }
0x28: {  	s2 =	sld [smem:$0x3FB0]  }
0x29: {  	s4 =	sld [smem:$0x3FB2]  }
0x2a: {  	p0 =	seq.s32 s5, $0x0;
	s5 =	sld [smem:$0x3FB3]  }
0x2b: {  	s6 =	sld [smem:$0x3FB4]  }
0x2c: {  	s7 =	sld [smem:$0x3FB5]  }
0x2d: {  	s3 =	simm.s32 $0x108;
	s8 =	sld [smem:$0x3FB6]  }
0x2e: {  	s3 =	simm.s32 @!p0 $0x1082;
	s9 =	sld [smem:$0x3FB7]  }
0x2f: {  	lr =	sadd.s32 s0, s3;
	s0 =	sld [smem:$0x3FAE]  }
0x30: {  	s3 =	sld [smem:$0x3FB1]  }
0x31: {  	[smem:$0x3FBA] =	sst s10  }
0x32: {  	s10 =	sld [smem:$0x3FB8];
	_ =	sdelay $0x3  }
0x33: {  	p0 =	seq.s32 s10, $0x1;
	s10 =	sld [smem:$0x3FBA];
	_ =	sdelay $0x3  }
0x34: {  	[smem:$0x3FBA] =	sst s10  }
0x35: {  	s10 =	sld [smem:$0x3FB9];
	_ =	sdelay $0x3  }
0x36: {  	p1 =	seq.s32 s10, $0x1;
	s10 =	sld [smem:$0x3FBA];
	_ =	sdelay $0x3  }
0x37: {  	[smem:$0x3FBA] =	sst s10  }
0x38: {  	s10 =	sld [smem:$0x3FBB]  }
0x39: {  	_ = 	snop;
	(pc) =	sbr.ind lr, $3  }
0x3a: {  	_ = 	snop  }
0x3b: {  	_ = 	snop  }
0x3c: {  	p2 =	seq.s32 s10, $0x1;
	s10 =	sld [smem:$0x3FBA]  }
0x3d: {  	_ =	shalt  }
0x3e: {  	_ =	shalt  }
0x3f: {  	_ =	shalt  }
0x40: {  	_ =	shalt  }
0x41: {  	_ =	shalt  }
0x42: {  	_ =	shalt  }
0x43: {  	_ =	shalt  }
0x44: {  	_ =	shalt  }
0x45: {  	_ =	shalt  }
0x46: {  	_ =	shalt  }
0x47: {  	_ =	shalt  }
0x48: {  	_ =	shalt  }
0x49: {  	_ =	shalt  }
0x4a: {  	_ =	shalt  }
0x4b: {  	_ =	shalt  }
0x4c: {  	_ =	shalt  }
0x4d: {  	_ =	shalt  }
0x4e: {  	_ =	shalt  }
0x4f: {  	_ =	shalt  }
0x50: {  	_ =	shalt  }
0x51: {  	_ =	shalt  }
0x52: {  	_ =	shalt  }
0x53: {  	_ =	shalt  }
0x54: {  	_ =	shalt  }
0x55: {  	_ =	shalt  }
0x56: {  	_ =	shalt  }
0x57: {  	_ =	shalt  }
0x58: {  	_ =	shalt  }
0x59: {  	_ =	shalt  }
0x5a: {  	_ =	shalt  }
0x5b: {  	_ =	shalt  }
0x5c: {  	_ =	shalt  }
0x5d: {  	_ =	shalt  }
0x5e: {  	_ =	shalt  }
0x5f: {  	_ =	shalt  }
0x60: {  	_ =	shalt  }
0x61: {  	_ =	shalt  }
0x62: {  	_ =	shalt  }
0x63: {  	_ =	shalt  }
0x64: {  	_ =	shalt  }
0x65: {  	_ =	shalt  }
0x66: {  	_ =	shalt  }
0x67: {  	_ =	shalt  }
0x68: {  	_ =	shalt  }
0x69: {  	_ =	shalt  }
0x6a: {  	_ =	shalt  }
0x6b: {  	_ =	shalt  }
0x6c: {  	_ =	shalt  }
0x6d: {  	_ =	shalt  }
0x6e: {  	_ =	shalt  }
0x6f: {  	_ =	shalt  }
0x70: {  	_ =	shalt  }
0x71: {  	_ =	shalt  }
0x72: {  	_ =	shalt  }
0x73: {  	_ =	shalt  }
0x74: {  	_ =	shalt  }
0x75: {  	_ =	shalt  }
0x76: {  	_ =	shalt  }
0x77: {  	_ =	shalt  }
0x78: {  	_ =	shalt  }
0x79: {  	_ =	shalt  }
0x7a: {  	_ =	shalt  }
0x7b: {  	_ =	shalt  }
0x7c: {  	_ =	shalt  }
0x7d: {  	_ =	shalt  }
0x7e: {  	_ =	shalt  }
0x7f: {  	_ =	shalt  }
0x80: {  	_ =	shalt  }
0x81: {  	_ =	shalt  }
0x82: {  	_ =	shalt  }
0x83: {  	_ =	shalt  }
0x84: {  	_ =	shalt  }
0x85: {  	_ =	shalt  }
0x86: {  	_ =	shalt  }
0x87: {  	_ =	shalt  }
.Lfunc_end0:
.L_simem_size_0:
called_computation_lowered:
.L_overlay_start_0:
0x88: {  	s2 =	sld [smem:$0x3FD9]  }
0x89: {  	s3 =	sld [smem:$0x3FFE];
	_ =	sdelay $0x1  }
0x8a: {  	s1 =	srdreg.scid  }
0x8b: {  	s0 =	sand.u32 $0x1, s1  }
0x8c: {  	s17 =	sshll.u32 s0, $0xA;
	s2 =	sadd.s32 s3, s2  }
0x8d: {  	s2 =	sadd.s32 s2, s17  }
0x8e: {  	[smem:$0x3FC6] =	sst s2  }
0x8f: {  	_ = 	snop  }
0x90: {  	s2 =	sld [smem:$0x3FC8];
	(tm) =	ssettm $0x1  }
0x91: {  	s18 =	sld [smem:$0x3FFB];
	_ =	sdelay $0x3  }
0x92: {  	_ =	strace s18  }
0x93: {  	s3 =	sld [smem:$0x3FFC];
	_ =	sdelay $0x3  }
0x94: {  	_ =	strace s3  }
0x95: {  	s3 =	sld [smem:$0x3FFD];
	_ =	sdelay $0x3  }
0x96: {  	_ =	strace s3  }
0x97: {  	_ =	strace $0x8FFFFFFF  }
0x98: {  	s19 =	sld [smem:$0x3FDB];
	_ =	sdelay $0x1  }
0x99: {  	s4 =	simm.s32 $_scs_section_size  }
0x9a: {  	s5 =	simm.s32 $_size__tile_overlayer_lowered;
	s6 =	simm.s32 $_tile_overlayer_lowered  }
0x9b: {  	s22 =	simm.s32 $0x1BFF;
	s21 =	sshll.u32 s6, $0x1;
	s3 =	sadd.s32 s4, s19  }
0x9c: {  	s7 =	simm.s32 $0x0;
	s20 =	sshll.u32 s5, $0x1;
	s5 =	sadd.s32 s21, s3  }
0x9d: {  	[timem:s7], [sflag:s22] =	dma.local [hbm:s5], s20  }
0x9e: {  	_ =	swait.ge [sflag:s22], s20  }
0x9f: {  	s4 =	ssub.s32 $0x0, s20;
	[sflag:s22] =	ssyncset.done $0x0  }
0xa0: {  	[sflag:s22] =	ssyncadd.s32 s4;
	_ =	sdelay $0x1  }
0xa1: {  	s23 =	simm.s32 $0x1B8B  }
0xa2: {  	_ =	swait.ge [sflag:s23], $0x1  }
0xa3: {  	[sflag:s23] =	ssyncset.done $0x0  }
0xa4: {  	s25 =	simm.s32 $0x1B8E;
	s24 =	sld [smem:$0x3FFE];
	[sflag:s23] =	ssyncadd.s32 $0xFFFFFFFF  }
0xa5: {  	s26 =	simm.s32 $execute0_lowered;
	[smem:$0x3FD2] =	sst s25  }
0xa6: {  	s5 =	sshll.u32 s26, $0x1;
	_ =	strace $0x80000046;
	[dreg:$0x1] =	wrdreg $0xFFFFFFFF  }
0xa7: {  	s28 =	simm.s32 $_size_execute0_lowered;
	s3 =	sadd.s32 s3, s5;
	[dreg:$0x0] =	wrdreg $0x0  }
0xa8: {  	s5 =	sshll.u32 s28, $0x1;
	[dreg:$0x2] =	wrdreg s3  }
0xa9: {  	[dreg:$0x3] =	wrdreg s5  }
0xaa: {  	[dreg:$0x4] =	wrdreg $0xC0  }
0xab: {  	_ =	task [dreg:s7], $0x5FFFF  }
0xac: {  	[dreg:$0x1] =	wrdreg $0xFFFFFFFF  }
0xad: {  	[dreg:$0x0] =	wrdreg $0x60  }
0xae: {  	[dreg:$0x2] =	wrdreg s24  }
0xaf: {  	[dreg:$0x3] =	wrdreg s2  }
0xb0: {  	[dreg:$0x4] =	wrdreg $0x9  }
0xb1: {  	_ =	task.clear_ibuf [dreg:s7], $0x5FFFF;
	_ =	strace $0x90000046  }
0xb2: {  	s29 =	simm.s32 $0x9;
	_ =	strace $0x80000048  }
0xb3: {  	_ =	swait.ge [sflag:s29], $0x1  }
0xb4: {  	[sflag:s29] =	ssyncadd.s32 $0xFFFFFFFF  }
0xb5: {  	_ =	strace $0x90000048  }
0xb6: {  	_ =	sfence  }
0xb7: {  	s30 =	sld [smem:$0x0];
	_ =	sdelay $0x2  }
0xb8: {  	s31 =	sshll.u32 s1, $0xD;
	s1 =	sshrl.u32 s1, $0x2  }
0xb9: {  	s3 =	sand.u32 $0x4000, s31;
	s1 =	sadd.s32 s1, s30  }
0xba: {  	s0 =	sor.u32 s3, s0;
	s1 =	sshll.u32 s1, $0x11  }
0xbb: {  	s0 =	sor.u32 s1, s0  }
0xbc: {  	s0 =	sadd.s32 $0x8F2B, s0  }
0xbd: {  	[sflag:s0] =	ssyncadd.remote.s32 $0x1  }
0xbe: {  	_ =	sfence.sel $0xFFFF  }
0xbf: {  	[dreg:$0x0] =	wrdreg $0xFFFFFFFF;
	(pc) =	sbr.abs _section_cstart, $3  }
0xc0: {  	[dreg:$0x1] =	wrdreg $0xFFFFFFFF  }
0xc1: {  	_ =	task.clear_ibuf [dreg:s7], $0x2FFFF;
	_ =	strace $0x9FFFFFFF  }
0xc2: {  	(tm) =	ssettm $0x7FFFFFFF  }
0xc3: {  	_ =	shalt  }
tec
execute0_lowered:
.L_overlay_start_1:
0x0: {  	(tag) =	ssettag $0x1  }
0x1: {  	s3 =	rddreg [dreg:$0x0]  }
0x2: {  	s4 =	rddreg [dreg:$0x1];
	s2 =	simm.s32 $0x0  }
0x3: {  	[smem:$0x7FF] =	sst s2  }
0x4: {  	s0 =	rddreg [dreg:$0x2];
	v0 =	vimm.f32 $2.000000000e+00;
	_ =	strace $0x80000047  }
0x5: {  	(erf) = vrcp.f32 v0;
	v0 =	vimm.f32 $1.428571490e-01  }
0x6: {  	s5 =	srdreg.scid;
	s1 =	stileid.u32;
	(erf) = vrcp.f32 v0  }
0x7: {  	s10 =	simm.s32 $0xB80;
	s11 =	simm.s32 $0x1780;
	s12 =	simm.s32 $0x2380  }
0x8: {  	s13 =	simm.s32 $0x2F80;
	s14 =	simm.s32 $0x3B80;
	s15 =	simm.s32 $0x500  }
0x9: {  	s16 =	simm.s32 $0x1;
	s17 =	simm.s32 $0x10780;
	s18 =	simm.s32 $0x3  }
0xa: {  	v60 =	vlaneseq.u32;
	s19 =	simm.s32 $0x0;
	s5 =	sand.u32 $0x1, s5;
	s6 =	sshll.u32 s1, $0x1  }
0xb: {  	s31 =	sshll.u32 s1, $0x6;
	v1 =	vand.u32 $0x7, v60;
	s6 =	sor.u32 s5, s6;
	s30 =	ssub.s32 $0x2, s5  }
0xc: {  	s5 =	sand.u32 $0x380, s31;
	v1 =	vmul.u32 $0x80, v1;
	s7 =	smul.u32 $0x1800, s6;
	s8 =	sshll.u32 s6, $0x7  }
0xd: {  	s9 =	sshrl.u32 s30, $0x1;
	s6 =	sshll.u32 s6, $0x2;
	s4 =	sadd.s32 s4, s5  }
0xe: {  	s8 =	sadd.s32 s8, s3;
	s9 =	ssub.s32 s30, s9;
	v3 =	vor.u32 $0x1, v1;
	s7 =	sadd.s32 s7, s3;
	v2 =	vpop (erf)  }
0xf: {  	s3 =	sand.u32 $0xC, s6;
	s6 =	sadd.s32 $0x30600, s8;
	s8 =	simm.s32 $0x4780;
	[tilespmem:$0x1FFF0] =	vst v3;
	v0 =	vpop (erf)  }
0x10: {  	v61 =	vimm.f32 $0.0e+00;
	s5 =	sadd.s32 $0x600, s7;
	s7 =	smax.u32 s9, $0x1;
	s9 =	simm.s32 $0x2;
	[tilespmem:$0x1FFE0] =	vst v0  }
.LBB2_1:
0x11: {  	s20 =	smul.u32 $0xCD, s2;
	_ =	sdelay $0x1  }
0x12: {  	s22 =	simm.s32 $0x1;
	s21 =	sshrl.u32 s20, $0xB  }
0x13: {  	s22 =	smul.u32 $0xCD, s22;
	s21 =	sand.u32 $0x1F, s21  }
0x14: {  	s21 =	smul.u32 $0xA, s21  }
0x15: {  	s23 =	sshrl.u32 s20, $0x7  }
0x16: {  	s20 =	simm.s32 $0x2;
	s24 =	sshrl.u32 s22, $0xB;
	s21 =	ssub.s32 $0x0, s21  }
0x17: {  	s23 =	sand.u32 $0xF0, s23;
	s24 =	sand.u32 $0x1F, s24;
	s21 =	sand.u32 $0xFF, s21  }
0x18: {  	s23 =	sor.u32 s23, s3;
	s25 =	smul.u32 $0xA, s24;
	s21 =	sshll.u32 s21, $0xA  }
0x19: {  	s24 =	sshrl.u32 s22, $0x7;
	s22 =	simm.s32 $0x0;
	s21 =	sadd.s32 s21, s4  }
0x1a: {  	s31 =	ssub.s32 $0x1, s25;
	s23 =	sadd.s32 s23, s21;
	s21 =	smul.u32 $0xCD, s20  }
0x1b: {  	[tilespmem:s2], [sflag:$0x2] =	stream.linear.gather [hbm4b:s23+s2], $0x20, $0x38;
	[tilespmem:$0x10B80] =	vst v63  }
0x1c: {  	s26 =	sand.u32 $0xFF, s31;
	s23 =	simm.s32 $0x3;
	s25 =	sshrl.u32 s21, $0xB  }
.LBB2_2:
0x1d: {  	p0 =	sne.s32 s23, $0x27  }
0x1e: {  	s24 =	sand.u32 $0xF0, s24;
	s26 =	sshll.u32 s26, $0xA;
	s25 =	sand.u32 $0x1F, s25  }
0x1f: {  	s24 =	sor.u32 s24, s3;
	s26 =	sadd.s32 s26, s4;
	s25 =	smul.u32 $0xA, s25  }
.Ltmp0:
0x20: {  	s22 =	sadd.s32 $0x20, s22;
	s24 =	sadd.s32 s24, s26;
	(pc) =	sbr.rel @p0 .LBB2_2-.Ltmp0, $4  }
0x21: {  	[tilespmem:s22], [sflag:$0x2] =	stream.linear.gather [hbm4b:s24+s2], $0x20, $0x38;
	[tilespmem:$0x10B80] =	vst v63  }
0x22: {  	s24 =	smov.u32 s21;
	s21 =	smul.u32 $0xCD, s23  }
0x23: {  	s26 =	ssub.s32 s20, s25;
	s20 =	smov.u32 s23;
	s24 =	sshrl.u32 s24, $0x7  }
0x24: {  	s23 =	sadd.s32 $0x1, s23;
	s26 =	sand.u32 $0xFF, s26;
	s25 =	sshrl.u32 s21, $0xB  }
0x25: {  	s23 =	sand.u32 $0xF0, s24;
	s31 =	sshll.u32 s26, $0xA  }
0x26: {  	s25 =	sand.u32 $0x1F, s25;
	s23 =	sor.u32 s23, s3;
	s24 =	sadd.s32 s31, s4  }
0x27: {  	s22 =	sadd.s32 $0x20, s22;
	s25 =	smul.u32 $0xA, s25;
	s23 =	sadd.s32 s23, s24  }
0x28: {  	[tilespmem:s22], [sflag:$0x2] =	stream.linear.gather [hbm4b:s23+s2], $0x20, $0x38;
	[tilespmem:$0x10B80] =	vst v63  }
0x29: {  	s20 =	ssub.s32 s20, s25  }
0x2a: {  	s21 =	sshrl.u32 s21, $0x7;
	s20 =	sand.u32 $0xFF, s20  }
0x2b: {  	s21 =	sand.u32 $0xF0, s21;
	s20 =	sshll.u32 s20, $0xA  }
0x2c: {  	s21 =	sor.u32 s21, s3;
	s20 =	sadd.s32 s20, s4  }
0x2d: {  	s28 =	simm.s32 $0x0;
	s26 =	sadd.s32 $0x20, s22;
	s20 =	sadd.s32 s21, s20  }
0x2e: {  	[tilespmem:s26], [sflag:$0x2] =	stream.linear.gather [hbm4b:s20+s2], $0x20, $0x38;
	[tilespmem:$0x10B80] =	vst v63  }
0x2f: {  	s20 =	sand.u32 $0x10, s28  }
0x30: {  	s29 =	simm.s32 $0x0;
	v6 =	vor.u32 s20, v60  }
0x31: {  	s30 =	simm.s32 $0x280;
	s31 =	simm.s32 $0x140;
	v7 =	vor.u32 s29, v6  }
0x32: {  	[tilespmem:s8], [sflag:$0x1] =	stream.linear.gather [hbm4b:s5+s28], $0xC000, $0x38;
	v8 =	vor.u32 s30, v6;
	[tilespmem:$0x10B80] =	vst v63  }
0x33: {  	s22 =	simm.s32 $0x3C0;
	v9 =	vor.u32 s31, v6;
	_ =	swait.ge [sflag:s9], $0x500  }
0x34: {  	v10 =	vor.u32 s22, v6;
	[sflag:s9] =	ssyncset.done $0x0  }
0x35: {  	[sflag:s9] =	ssyncadd.s32 $0xFFFFFB00  }
0x36: {  	v11 =	vld.idx.msk [tilespmem:v7+s2+$0x0], $0xffff  }
0x37: {  	v12 =	vld.idx.msk [tilespmem:v8+s2+$0x0], $0xffff  }
0x38: {  	v9 =	vld.idx.msk [tilespmem:v9+s2+$0x0], $0xffff  }
0x39: {  	v10 =	vld.idx.msk [tilespmem:v10+s2+$0x0], $0xffff;
	_ =	sdelay $0x4  }
0x3a: {  	v7 =	vadd.f32 v12, v11;
	v8 =	vadd.f32 v10, v9;
	_ =	sdelay $0x1  }
0x3b: {  	v7 =	vmul.f32 v7, v2;
	v13 =	vmul.f32 v8, v2;
	_ =	sdelay $0x1  }
0x3c: {  	v8 =	vmul.f32 v7, v0;
	v14 =	vmul.f32 v13, v0;
	_ =	sdelay $0x1  }
0x3d: {  	v15 =	vtrunc.f32 v8;
	v16 =	vtrunc.f32 v14  }
0x3e: {  	v15 =	vcvt.f32.s32 v15;
	v16 =	vcvt.f32.s32 v16;
	_ =	sdelay $0x1  }
0x3f: {  	v15 =	vcvt.s32.f32 v15;
	v16 =	vcvt.s32.f32 v16;
	_ =	sdelay $0x1  }
0x40: {  	v17 =	vadd.f32 $1.000000000e+00, v15;
	v18 =	vadd.f32 $1.000000000e+00, v16  }
0x41: {  	vm0 =	vgt.f32 v8, v15;
	vm1 =	vgt.f32 v14, v16  }
0x42: {  	v8 =	vsel vm0, v17, v15;
	v14 =	vsel vm1, v18, v16  }
0x43: {  	v8 =	vadd.f32 $-1.000000000e+00, v8;
	v14 =	vadd.f32 $-1.000000000e+00, v14;
	_ =	sdelay $0x1  }
0x44: {  	s23 =	simm.s32 $0x0;
	v15 =	vtrunc.f32 v8;
	v16 =	vtrunc.f32 v14  }
0x45: {  	v17 =	vmul.f32 $1.428571490e-01, v8;
	v8 =	vor.u32 s23, v60;
	v16 =	vcvt.f32.s32 v16  }
0x46: {  	v6 =	vmul.u32 $0x31, v6;
	v14 =	vmul.f32 $1.428571490e-01, v14;
	v15 =	vcvt.f32.s32 v15  }
0x47: {  	s24 =	simm.s32 $0x0;
	v11 =	vsub.f32 v12, v11;
	v17 =	vsub.f32 v7, v17;
	v16 =	vmul.u32 $0x7, v16  }
0x48: {  	s21 =	simm.s32 $0x10;
	v7 =	vmov s24;
	v12 =	vsub.f32 v13, v14;
	v6 =	vadd.s32 v15, v6  }
0x49: {  	s25 =	simm.s32 $0x0;
	s26 =	sand.u32 $0x10, s21;
	v13 =	vsub.f32 v10, v9;
	v14 =	vmul.f32 v17, v0;
	v10 =	vadd.s32 v16, v6  }
0x4a: {  	s28 =	simm.s32 $0x0;
	v9 =	vmov s25;
	v17 =	vmul.f32 v12, v0;
	v6 =	vor.u32 s26, v60;
	[tilespmem:v8+s10+$0x0] =	vst.idx.msk $0xffff, v10  }
0x4b: {  	s29 =	simm.s32 $0x140;
	s30 =	simm.s32 $0x280;
	s31 =	simm.s32 $0x3C0;
	v12 =	vmul.f32 $7.000000000e+00, v11;
	v16 =	vmul.f32 $7.000000000e+00, v13;
	v11 =	vor.u32 s28, v6;
	[tilespmem:v8+s11+$0x0] =	vst.idx.msk $0xffff, v14  }
0x4c: {  	s20 =	simm.s32 $0x1;
	s22 =	simm.s32 $0x2;
	v13 =	vor.u32 s29, v6;
	v15 =	vor.u32 s30, v6;
	v14 =	vor.u32 s31, v6;
	[tilespmem:v8+s12+$0x0] =	vst.idx.msk $0xffff, v17  }
.LBB2_4:
0x4d: {  	p0 =	sne.s32 s22, $0x13;
	[tilespmem:v8+s13+$0x0] =	vst.idx.msk $0xffff, v12;
	s23 =	smov.u32 s22;
	s22 =	sadd.s32 $0x1, s22  }
0x4e: {  	[tilespmem:v8+s14+$0x0] =	vst.idx.msk $0xffff, v16  }
0x4f: {  	[tilespmem:v10+s15+$0x0] =	vst.idx.msk $0xffff, v7;
	v7 =	vmov v9  }
0x50: {  	v8 =	vld.idx.msk [tilespmem:v11+s2+$0x0], $0xffff  }
0x51: {  	v9 =	vld.idx.msk [tilespmem:v15+s2+$0x0], $0xffff  }
0x52: {  	v10 =	vld.idx.msk [tilespmem:v13+s2+$0x0], $0xffff  }
0x53: {  	v11 =	vld.idx.msk [tilespmem:v14+s2+$0x0], $0xffff;
	_ =	sdelay $0x3  }
0x54: {  	v12 =	vadd.f32 v9, v8;
	v13 =	vsub.f32 v9, v8;
	_ =	sdelay $0x1  }
0x55: {  	v9 =	vmul.f32 v12, v2;
	v8 =	vadd.f32 v11, v10;
	v14 =	vsub.f32 v11, v10;
	_ =	sdelay $0x1  }
0x56: {  	v10 =	vmul.f32 v8, v2;
	v8 =	vmul.f32 v9, v0;
	_ =	sdelay $0x1  }
0x57: {  	v11 =	vmul.f32 v10, v0;
	v12 =	vtrunc.f32 v8  }
0x58: {  	v12 =	vcvt.f32.s32 v12  }
0x59: {  	v15 =	vtrunc.f32 v11  }
0x5a: {  	v12 =	vcvt.s32.f32 v12;
	v15 =	vcvt.f32.s32 v15;
	_ =	sdelay $0x1  }
0x5b: {  	v15 =	vcvt.s32.f32 v15;
	vm0 =	vgt.f32 v8, v12;
	v8 =	vadd.f32 $1.000000000e+00, v12;
	_ =	sdelay $0x1  }
0x5c: {  	v8 =	vsel vm0, v8, v12;
	vm0 =	vgt.f32 v11, v15;
	v11 =	vadd.f32 $1.000000000e+00, v15  }
0x5d: {  	v8 =	vadd.f32 $-1.000000000e+00, v8  }
0x5e: {  	v11 =	vsel vm0, v11, v15  }
0x5f: {  	v11 =	vadd.f32 $-1.000000000e+00, v11;
	v12 =	vtrunc.f32 v8;
	v15 =	vmul.f32 $1.428571490e-01, v8  }
0x60: {  	s24 =	sshll.u32 s20, $0x7;
	s20 =	smov.u32 s23;
	v12 =	vcvt.f32.s32 v12  }
0x61: {  	v8 =	vor.u32 s24, v60;
	v16 =	vtrunc.f32 v11;
	v11 =	vmul.f32 $1.428571490e-01, v11  }
0x62: {  	v6 =	vmul.u32 $0x31, v6;
	v9 =	vsub.f32 v9, v15;
	v16 =	vcvt.f32.s32 v16  }
0x63: {  	v11 =	vsub.f32 v10, v11  }
0x64: {  	v6 =	vadd.s32 v12, v6;
	v10 =	vmul.u32 $0x7, v16  }
.Ltmp1:
0x65: {  	s21 =	sadd.s32 $0x10, s21;
	v15 =	vmul.f32 v9, v0;
	(pc) =	sbr.rel @p0 .LBB2_4-.Ltmp1, $4  }
0x66: {  	s23 =	sshrl.u32 s20, $0x1;
	s24 =	sand.u32 $0x10, s21;
	v17 =	vmul.f32 v11, v0;
	v10 =	vadd.s32 v10, v6  }
0x67: {  	v12 =	vmul.f32 $7.000000000e+00, v13;
	v9 =	vmov s23;
	v6 =	vor.u32 s24, v60;
	s24 =	sshll.u32 s23, $0x5;
	[tilespmem:v8+s10+$0x0] =	vst.idx.msk $0xffff, v10  }
0x68: {  	v16 =	vmul.f32 $7.000000000e+00, v14;
	v11 =	vor.u32 s24, v6;
	s23 =	sadd.s32 $0x140, s24;
	s25 =	sadd.s32 $0x280, s24;
	s24 =	sadd.s32 $0x3C0, s24;
	[tilespmem:v8+s11+$0x0] =	vst.idx.msk $0xffff, v15  }
0x69: {  	v13 =	vor.u32 s23, v6;
	v14 =	vor.u32 s24, v6;
	v15 =	vor.u32 s25, v6;
	[tilespmem:v8+s12+$0x0] =	vst.idx.msk $0xffff, v17  }
0x6a: {  	_ =	sdelay $0x3  }
0x6b: {  	[tilespmem:v8+s13+$0x0] =	vst.idx.msk $0xffff, v12  }
0x6c: {  	[tilespmem:v8+s14+$0x0] =	vst.idx.msk $0xffff, v16  }
0x6d: {  	[tilespmem:v10+s15+$0x0] =	vst.idx.msk $0xffff, v7  }
0x6e: {  	v7 =	vld.idx.msk [tilespmem:v11+s2+$0x0], $0xffff  }
0x6f: {  	v8 =	vld.idx.msk [tilespmem:v15+s2+$0x0], $0xffff  }
0x70: {  	v10 =	vld.idx.msk [tilespmem:v13+s2+$0x0], $0xffff  }
0x71: {  	v11 =	vld.idx.msk [tilespmem:v14+s2+$0x0], $0xffff;
	_ =	sdelay $0x4  }
0x72: {  	v12 =	vadd.f32 v8, v7;
	v13 =	vadd.f32 v11, v10;
	_ =	sdelay $0x1  }
0x73: {  	v12 =	vmul.f32 v12, v2;
	v13 =	vmul.f32 v13, v2;
	_ =	sdelay $0x1  }
0x74: {  	v14 =	vmul.f32 v12, v0;
	v15 =	vmul.f32 v13, v0;
	_ =	sdelay $0x1  }
0x75: {  	v16 =	vtrunc.f32 v14;
	v17 =	vtrunc.f32 v15  }
0x76: {  	v16 =	vcvt.f32.s32 v16;
	v17 =	vcvt.f32.s32 v17;
	_ =	sdelay $0x1  }
0x77: {  	v16 =	vcvt.s32.f32 v16;
	v17 =	vcvt.s32.f32 v17;
	_ =	sdelay $0x1  }
0x78: {  	v18 =	vadd.f32 $1.000000000e+00, v16;
	v19 =	vadd.f32 $1.000000000e+00, v17  }
0x79: {  	vm0 =	vgt.f32 v14, v16;
	vm1 =	vgt.f32 v15, v17  }
0x7a: {  	v14 =	vsel vm0, v18, v16;
	v15 =	vsel vm1, v19, v17  }
0x7b: {  	v14 =	vadd.f32 $-1.000000000e+00, v14;
	v15 =	vadd.f32 $-1.000000000e+00, v15;
	_ =	sdelay $0x1  }
0x7c: {  	s20 =	sshll.u32 s20, $0x7;
	v16 =	vtrunc.f32 v14;
	v17 =	vtrunc.f32 v15  }
0x7d: {  	v18 =	vor.u32 s20, v60;
	v14 =	vmul.f32 $1.428571490e-01, v14;
	v17 =	vcvt.f32.s32 v17  }
0x7e: {  	v6 =	vmul.u32 $0x31, v6;
	v15 =	vmul.f32 $1.428571490e-01, v15;
	v16 =	vcvt.f32.s32 v16  }
0x7f: {  	v12 =	vsub.f32 v12, v14;
	v14 =	vmul.u32 $0x7, v17  }
0x80: {  	v13 =	vsub.f32 v13, v15;
	v6 =	vadd.s32 v16, v6  }
0x81: {  	v7 =	vsub.f32 v8, v7;
	v8 =	vmul.f32 v12, v0;
	v6 =	vadd.s32 v14, v6  }
0x82: {  	v10 =	vsub.f32 v11, v10;
	v11 =	vmul.f32 v13, v0;
	[tilespmem:v18+s10+$0x0] =	vst.idx.msk $0xffff, v6  }
0x83: {  	v7 =	vmul.f32 $7.000000000e+00, v7;
	[tilespmem:v18+s11+$0x0] =	vst.idx.msk $0xffff, v8  }
0x84: {  	v8 =	vmul.f32 $7.000000000e+00, v10;
	[tilespmem:v18+s12+$0x0] =	vst.idx.msk $0xffff, v11  }
0x85: {  	s26 =	simm.s32 $0x0;
	[tilespmem:v18+s13+$0x0] =	vst.idx.msk $0xffff, v7  }
0x86: {  	[tilespmem:v18+s14+$0x0] =	vst.idx.msk $0xffff, v8;
	v8 =	vor.u32 s26, v60  }
0x87: {  	[tilespmem:v6+s15+$0x0] =	vst.idx.msk $0xffff, v9  }
0x88: {  	_ =	swait.ge [sflag:s16], $0xC000  }
0x89: {  	[sflag:s16] =	ssyncset.done $0x0  }
0x8a: {  	[sflag:s16] =	ssyncadd.s32 $0xFFFF4000  }
0x8b: {  	s28 =	simm.s32 $0x0;
	v7 =	vld.idx.msk [tilespmem:v8+s10+$0x0], $0xffff  }
0x8c: {  	s20 =	sand.u32 $0x10, s28  }
0x8d: {  	v6 =	vor.u32 s20, v60  }
0x8e: {  	v9 =	vmul.u32 $0xFFFFFFCF, v6;
	_ =	sdelay $0x1  }
0x8f: {  	v14 =	vadd.s32 v9, v7  }
0x90: {  	v6 =	vshrl.u32 v6, $0x3;
	v15 =	vmul.u32 $0x1E, v14  }
0x91: {  	v16 =	vmul.u32 $0x3000, v6  }
0x92: {  	v9 =	vadd.s32 $0x1C, v15;
	v10 =	vadd.s32 $0x1D, v15;
	v11 =	vadd.s32 $0x19, v15  }
0x93: {  	v12 =	vadd.s32 $0x1A, v15;
	v13 =	vadd.s32 $0x1B, v15;
	v19 =	vadd.s32 $0x16, v15  }
0x94: {  	v20 =	vadd.s32 $0x17, v15;
	v21 =	vadd.s32 $0x18, v15;
	v22 =	vadd.s32 $0x13, v15  }
0x95: {  	v23 =	vadd.s32 $0x14, v15;
	v24 =	vadd.s32 $0x15, v15;
	v25 =	vadd.s32 $0x10, v15  }
0x96: {  	v26 =	vadd.s32 $0x11, v15;
	v27 =	vadd.s32 $0x12, v15;
	v28 =	vadd.s32 $0xD, v15  }
0x97: {  	v29 =	vadd.s32 $0xE, v15;
	v30 =	vadd.s32 $0xF, v15;
	v31 =	vadd.s32 $0xA, v15  }
0x98: {  	v32 =	vadd.s32 $0xB, v15;
	v33 =	vadd.s32 $0xC, v15;
	v18 =	vand.u32 $0x7F, v13  }
0x99: {  	v17 =	vand.u32 $0x7E, v9;
	v6 =	vand.u32 $0x7F, v10;
	v34 =	vand.u32 $0x7E, v12  }
0x9a: {  	v9 =	vshll.u32 v9, $0x3;
	v10 =	vshll.u32 v10, $0x3;
	v35 =	vand.u32 $0x7E, v21  }
0x9b: {  	v36 =	vand.u32 $0x7F, v11;
	v13 =	vshll.u32 v13, $0x3;
	v37 =	vand.u32 $0x7F, v20  }
0x9c: {  	v11 =	vshll.u32 v11, $0x3;
	v12 =	vshll.u32 v12, $0x3;
	v38 =	vand.u32 $0x7F, v24  }
0x9d: {  	v39 =	vand.u32 $0x7E, v19;
	v21 =	vshll.u32 v21, $0x3;
	v40 =	vand.u32 $0x7E, v23  }
0x9e: {  	v19 =	vshll.u32 v19, $0x3;
	v20 =	vshll.u32 v20, $0x3;
	v41 =	vand.u32 $0x7E, v27  }
0x9f: {  	v42 =	vand.u32 $0x7F, v22;
	v24 =	vshll.u32 v24, $0x3;
	v43 =	vand.u32 $0x7F, v26  }
0xa0: {  	v22 =	vshll.u32 v22, $0x3;
	v23 =	vshll.u32 v23, $0x3;
	v44 =	vand.u32 $0x7F, v30  }
0xa1: {  	v45 =	vand.u32 $0x7E, v25;
	v27 =	vshll.u32 v27, $0x3;
	v46 =	vand.u32 $0x7E, v29  }
0xa2: {  	v25 =	vshll.u32 v25, $0x3;
	v26 =	vshll.u32 v26, $0x3;
	v47 =	vand.u32 $0x7E, v33  }
0xa3: {  	v48 =	vand.u32 $0x7F, v28;
	v30 =	vshll.u32 v30, $0x3;
	v49 =	vand.u32 $0x7E, v31  }
0xa4: {  	v50 =	vand.u32 $0x7F, v32;
	v29 =	vshll.u32 v29, $0x3;
	v31 =	vshll.u32 v31, $0x3  }
0xa5: {  	v33 =	vshll.u32 v33, $0x3;
	v28 =	vshll.u32 v28, $0x3;
	v32 =	vshll.u32 v32, $0x3  }
0xa6: {  	v9 =	vand.u32 $0xFFFFFC00, v9;
	v10 =	vand.u32 $0xFFFFFC00, v10;
	v11 =	vand.u32 $0xFFFFFC00, v11  }
0xa7: {  	v12 =	vand.u32 $0xFFFFFC00, v12;
	v13 =	vand.u32 $0xFFFFFC00, v13;
	v19 =	vand.u32 $0xFFFFFC00, v19  }
0xa8: {  	v20 =	vand.u32 $0xFFFFFC00, v20;
	v21 =	vand.u32 $0xFFFFFC00, v21;
	v22 =	vand.u32 $0xFFFFFC00, v22  }
0xa9: {  	v23 =	vand.u32 $0xFFFFFC00, v23;
	v24 =	vand.u32 $0xFFFFFC00, v24;
	v25 =	vand.u32 $0xFFFFFC00, v25  }
0xaa: {  	v26 =	vand.u32 $0xFFFFFC00, v26;
	v27 =	vand.u32 $0xFFFFFC00, v27;
	v28 =	vand.u32 $0xFFFFFC00, v28  }
0xab: {  	v29 =	vand.u32 $0xFFFFFC00, v29;
	v30 =	vand.u32 $0xFFFFFC00, v30;
	v31 =	vand.u32 $0xFFFFFC00, v31  }
0xac: {  	v32 =	vand.u32 $0xFFFFFC00, v32;
	v33 =	vand.u32 $0xFFFFFC00, v33;
	v51 =	vadd.s32 v16, v13  }
0xad: {  	v52 =	vadd.s32 v16, v9;
	v53 =	vadd.s32 v16, v10;
	v9 =	vadd.s32 v16, v31  }
0xae: {  	v31 =	vadd.s32 v16, v11;
	v54 =	vadd.s32 v16, v12;
	v10 =	vadd.s32 v16, v32  }
0xaf: {  	v21 =	vadd.s32 v16, v21;
	v11 =	vadd.s32 v16, v33;
	v25 =	vadd.s32 v16, v25  }
0xb0: {  	v26 =	vadd.s32 v16, v26;
	v27 =	vadd.s32 v16, v27;
	v9 =	vor.u32 v49, v9  }
0xb1: {  	v22 =	vadd.s32 v16, v22;
	v12 =	vor.u32 v1, v9;
	v9 =	vor.u32 v50, v10  }
0xb2: {  	v10 =	vor.u32 v47, v11;
	v13 =	vor.u32 v1, v9;
	v9 =	vadd.s32 v16, v28  }
0xb3: {  	v11 =	vadd.s32 v16, v29;
	v28 =	vor.u32 v1, v10;
	v9 =	vor.u32 v48, v9  }
0xb4: {  	v29 =	vadd.s32 v16, v30;
	v11 =	vor.u32 v46, v11;
	v30 =	vor.u32 v1, v9  }
0xb5: {  	v7 =	vld.idx.msk [tilespmem:v7+s15+$0x0], $0xffff;
	v23 =	vadd.s32 v16, v23;
	v29 =	vor.u32 v44, v29;
	v55 =	vor.u32 v1, v11  }
0xb6: {  	v24 =	vadd.s32 v16, v24;
	v25 =	vor.u32 v45, v25;
	v29 =	vor.u32 v1, v29;
	v11 =	vld.idx.msk [tilespmem:v12+s8+$0x0], $0xffff  }
0xb7: {  	v19 =	vadd.s32 v16, v19;
	v26 =	vor.u32 v43, v26;
	v25 =	vor.u32 v1, v25;
	v12 =	vld.idx.msk [tilespmem:v13+s8+$0x0], $0xffff  }
0xb8: {  	v20 =	vadd.s32 v16, v20;
	v27 =	vor.u32 v41, v27;
	v26 =	vor.u32 v1, v26;
	v13 =	vld.idx.msk [tilespmem:v28+s8+$0x0], $0xffff  }
0xb9: {  	v22 =	vor.u32 v42, v22;
	v23 =	vor.u32 v40, v23;
	v27 =	vor.u32 v1, v27;
	v30 =	vld.idx.msk [tilespmem:v30+s8+$0x0], $0xffff  }
0xba: {  	v24 =	vor.u32 v38, v24;
	v19 =	vor.u32 v39, v19;
	v22 =	vor.u32 v1, v22;
	v32 =	vld.idx.msk [tilespmem:v55+s8+$0x0], $0xffff  }
0xbb: {  	v20 =	vor.u32 v37, v20;
	v21 =	vor.u32 v35, v21;
	v23 =	vor.u32 v1, v23;
	v29 =	vld.idx.msk [tilespmem:v29+s8+$0x0], $0xffff  }
0xbc: {  	v18 =	vor.u32 v18, v51;
	v24 =	vor.u32 v1, v24;
	v33 =	vld.idx.msk [tilespmem:v25+s8+$0x0], $0xffff;
	v25 =	vmax.f32 v11, v12  }
0xbd: {  	v17 =	vor.u32 v17, v52;
	v19 =	vor.u32 v1, v19;
	v38 =	vld.idx.msk [tilespmem:v26+s8+$0x0], $0xffff;
	v25 =	vmax.f32 v25, v13  }
0xbe: {  	v6 =	vor.u32 v6, v53;
	v20 =	vor.u32 v1, v20;
	v37 =	vld.idx.msk [tilespmem:v27+s8+$0x0], $0xffff;
	v25 =	vmax.f32 v25, v30  }
0xbf: {  	v21 =	vor.u32 v1, v21;
	v35 =	vld.idx.msk [tilespmem:v22+s8+$0x0], $0xffff;
	v22 =	vor.u32 v36, v31;
	v25 =	vmax.f32 v25, v32  }
0xc0: {  	v31 =	vld.idx.msk [tilespmem:v23+s8+$0x0], $0xffff;
	v23 =	vor.u32 v34, v54;
	v22 =	vor.u32 v1, v22;
	v25 =	vmax.f32 v25, v29  }
0xc1: {  	v40 =	vadd.s32 $0x2, v15;
	v34 =	vld.idx.msk [tilespmem:v24+s8+$0x0], $0xffff;
	v23 =	vor.u32 v1, v23;
	v24 =	vmax.f32 v25, v33  }
0xc2: {  	v41 =	vadd.s32 $0x3, v15;
	v18 =	vor.u32 v1, v18;
	v36 =	vld.idx.msk [tilespmem:v19+s8+$0x0], $0xffff;
	v19 =	vmax.f32 v24, v38  }
0xc3: {  	v42 =	vadd.s32 $0x7, v15;
	v17 =	vor.u32 v1, v17;
	v39 =	vld.idx.msk [tilespmem:v20+s8+$0x0], $0xffff;
	v19 =	vmax.f32 v19, v37  }
0xc4: {  	v57 =	vshll.u32 v41, $0x3;
	v20 =	vor.u32 v1, v6;
	v28 =	vld.idx.msk [tilespmem:v21+s8+$0x0], $0xffff;
	v19 =	vmax.f32 v19, v35  }
0xc5: {  	v59 =	vshll.u32 v42, $0x3;
	v27 =	vadd.s32 $0x9, v15;
	v26 =	vld.idx.msk [tilespmem:v22+s8+$0x0], $0xffff;
	v22 =	vmax.f32 v19, v31  }
0xc6: {  	v21 =	vadd.s32 $0x4, v15;
	v25 =	vld.idx.msk [tilespmem:v23+s8+$0x0], $0xffff;
	v19 =	vmul.u32 $0xF0, v14;
	v22 =	vmax.f32 v22, v34  }
0xc7: {  	v24 =	vld.idx.msk [tilespmem:v18+s8+$0x0], $0xffff;
	v14 =	vshll.u32 v21, $0x3;
	v21 =	vand.u32 $0x7E, v21;
	v18 =	vmax.f32 v22, v36  }
0xc8: {  	v23 =	vld.idx.msk [tilespmem:v17+s8+$0x0], $0xffff;
	v14 =	vand.u32 $0xFFFFFC00, v14;
	v22 =	vshll.u32 v27, $0x3;
	v17 =	vmax.f32 v18, v39  }
0xc9: {  	v14 =	vadd.s32 v16, v14;
	v18 =	vand.u32 $0xFFFFFC00, v22;
	v22 =	vld.idx.msk [tilespmem:v20+s8+$0x0], $0xffff;
	v17 =	vmax.f32 v17, v28  }
0xca: {  	v42 =	vand.u32 $0x7F, v42;
	v14 =	vor.u32 v21, v14;
	v17 =	vmax.f32 v17, v26  }
0xcb: {  	v20 =	vand.u32 $0x7F, v27;
	v18 =	vadd.s32 v16, v18;
	v17 =	vmax.f32 v17, v25  }
0xcc: {  	s29 =	simm.s32 $0x0;
	v14 =	vor.u32 v1, v14;
	v18 =	vor.u32 v20, v18;
	v17 =	vmax.f32 v17, v24  }
0xcd: {  	vm13 =	veq.s32 v7, s29;
	v27 =	vor.u32 v1, v18;
	v17 =	vmax.f32 v17, v23  }
0xce: {  	v44 =	vadd.s32 $0x8, v15;
	v45 =	vand.u32 $0xFFFFFC00, v57;
	v18 =	vmax.f32 v17, v22  }
0xcf: {  	v10 =	vld.idx.msk [tilespmem:v8+s11+$0x0], $0xffff;
	v47 =	vand.u32 $0xFFFFFC00, v59;
	v63 =	vshll.u32 v44, $0x3;
	v56 =	vsub.f32 v11, v18  }
0xd0: {  	v51 =	vand.u32 $0x7E, v44;
	v9 =	vld.idx.msk [tilespmem:v8+s12+$0x0], $0xffff;
	v6 =	vimm.f32 $0.0e+00;
	v58 =	vsub.f32 v12, v18  }
0xd1: {  	v54 =	vand.u32 $0xFFFFFC00, v63;
	v17 =	vshll.u32 v40, $0x3;
	v14 =	vld.idx.msk [tilespmem:v14+s8+$0x0], $0xffff;
	v43 =	vmul.f32 $1.442695020e+00, v56  }
0xd2: {  	v62 =	vand.u32 $0xFFFFFC00, v17;
	v52 =	vsub.f32 v13, v18;
	v17 =	vld.idx.msk [tilespmem:v27+s8+$0x0], $0xffff;
	v27 =	vmul.f32 $1.442695020e+00, v58  }
0xd3: {  	v30 =	vsub.f32 v30, v18;
	v32 =	vsub.f32 v32, v18;
	(erf) = vpow2.f32 v43  }
0xd4: {  	v29 =	vsub.f32 v29, v18;
	v53 =	vmul.f32 $1.442695020e+00, v52;
	(erf) = vpow2.f32 v27  }
0xd5: {  	v21 =	vmul.f32 v10, v2;
	v33 =	vsub.f32 v33, v18;
	v38 =	vsub.f32 v38, v18  }
0xd6: {  	v30 =	vmul.f32 $1.442695020e+00, v30;
	v55 =	vand.u32 $0x7FFFFFFF, v14;
	(erf) = vpow2.f32 v53  }
0xd7: {  	v20 =	vmul.f32 v9, v2;
	v37 =	vsub.f32 v37, v18;
	v49 =	vsub.f32 $0.0e+00, v55  }
0xd8: {  	v32 =	vmul.f32 $1.442695020e+00, v32;
	v56 =	vand.u32 $0x7FFFFFFF, v17;
	(erf) = vpow2.f32 v30  }
0xd9: {  	v35 =	vsub.f32 v35, v18;
	v48 =	vsub.f32 $0.0e+00, v56;
	v49 =	vmul.f32 $1.442695020e+00, v49  }
0xda: {  	v31 =	vsub.f32 v31, v18;
	v29 =	vmul.f32 $1.442695020e+00, v29;
	(erf) = vpow2.f32 v32  }
0xdb: {  	v34 =	vsub.f32 v34, v18;
	v57 =	vmul.f32 $1.442695020e+00, v48;
	(erf) = vpow2.f32 v49  }
0xdc: {  	v36 =	vsub.f32 v36, v18;
	v33 =	vmul.f32 $1.442695020e+00, v33;
	v58 =	vpop (erf);
	(erf) = vpow2.f32 v29  }
0xdd: {  	v39 =	vsub.f32 v39, v18;
	v38 =	vmul.f32 $1.442695020e+00, v38;
	(erf) = vpow2.f32 v57;
	v59 =	vpop (erf)  }
0xde: {  	v32 =	vadd.s32 v16, v45;
	v45 =	vadd.f32 v59, v58;
	(erf) = vpow2.f32 v33  }
0xdf: {  	v28 =	vsub.f32 v28, v18;
	v26 =	vsub.f32 v26, v18;
	v43 =	vadd.s32 v16, v62;
	v62 =	vpop (erf)  }
0xe0: {  	v37 =	vmul.f32 $1.442695020e+00, v37;
	(erf) = vpow2.f32 v38;
	v45 =	vadd.f32 v45, v62  }
0xe1: {  	v40 =	vand.u32 $0x7E, v40;
	v25 =	vsub.f32 v25, v18;
	v24 =	vsub.f32 v24, v18;
	v63 =	vpop (erf)  }
0xe2: {  	v35 =	vmul.f32 $1.442695020e+00, v35;
	(erf) = vpow2.f32 v37;
	v45 =	vadd.f32 v45, v63  }
0xe3: {  	v23 =	vsub.f32 v23, v18;
	v31 =	vmul.f32 $1.442695020e+00, v31;
	v34 =	vmul.f32 $1.442695020e+00, v34;
	v49 =	vpop (erf)  }
0xe4: {  	v36 =	vmul.f32 $1.442695020e+00, v36;
	v50 =	vpop (erf);
	(erf) = vpow2.f32 v35;
	v45 =	vadd.f32 v45, v49  }
0xe5: {  	v22 =	vsub.f32 v22, v18;
	v39 =	vmul.f32 $1.442695020e+00, v39;
	v28 =	vmul.f32 $1.442695020e+00, v28;
	v52 =	vpop (erf)  }
0xe6: {  	v26 =	vmul.f32 $1.442695020e+00, v26;
	(erf) = vpow2.f32 v31;
	v45 =	vadd.f32 v45, v52;
	v53 =	vpop (erf)  }
0xe7: {  	v25 =	vmul.f32 $1.442695020e+00, v25;
	v33 =	vadd.s32 v16, v54;
	v44 =	vadd.f32 $1.000000000e+00, v50;
	v54 =	vpop (erf)  }
0xe8: {  	v24 =	vmul.f32 $1.442695020e+00, v24;
	(erf) = vpow2.f32 v34;
	v45 =	vadd.f32 v45, v54  }
0xe9: {  	v23 =	vmul.f32 $1.442695020e+00, v23;
	v31 =	vand.u32 $0x7FFFFF, v44;
	v46 =	vadd.f32 $1.000000000e+00, v53;
	v56 =	vpop (erf)  }
0xea: {  	v31 =	vor.u32 $0x3F000000, v31;
	(erf) = vpow2.f32 v36;
	v45 =	vadd.f32 v45, v56  }
0xeb: {  	v22 =	vmul.f32 $1.442695020e+00, v22;
	v57 =	vadd.f32 $1.000000000e+00, v31;
	v55 =	vand.u32 $0x7FFFFF, v46;
	v58 =	vpop (erf)  }
0xec: {  	(erf) = vpow2.f32 v39;
	v34 =	vor.u32 $0x3F000000, v55;
	v45 =	vadd.f32 v45, v58  }
0xed: {  	v27 =	vadd.s32 $0x5, v15;
	(erf) = vrcp.f32 v57;
	v62 =	vpop (erf);
	v59 =	vadd.f32 $1.000000000e+00, v34  }
0xee: {  	v30 =	vadd.s32 $0x6, v15;
	(erf) = vpow2.f32 v28;
	v36 =	vadd.f32 v45, v62  }
0xef: {  	v15 =	vand.u32 $0x7E, v15;
	v29 =	vadd.s32 v16, v47;
	(erf) = vrcp.f32 v59;
	v63 =	vpop (erf)  }
0xf0: {  	v29 =	vor.u32 v42, v29;
	(erf) = vpow2.f32 v26;
	v36 =	vadd.f32 v36, v63  }
0xf1: {  	v48 =	vshll.u32 v30, $0x3;
	v29 =	vor.u32 v1, v29;
	v38 =	vand.u32 $0x7F, v41;
	v42 =	vpop (erf)  }
0xf2: {  	v41 =	vshll.u32 v27, $0x3;
	v26 =	vor.u32 v38, v32;
	v32 =	vadd.f32 v36, v42  }
0xf3: {  	v27 =	vand.u32 $0x7F, v27;
	v28 =	vor.u32 v40, v43;
	(erf) = vpow2.f32 v25;
	v43 =	vpop (erf)  }
0xf4: {  	v35 =	vsub.f32 $0.0e+00, v21;
	v28 =	vor.u32 v1, v28;
	v32 =	vadd.f32 v32, v43  }
0xf5: {  	v21 =	vadd.f32 $0.0e+00, v21;
	v26 =	vor.u32 v1, v26;
	(erf) = vpow2.f32 v24;
	v45 =	vpop (erf)  }
0xf6: {  	(erf) = vpow2.f32 v23;
	v23 =	vand.u32 $0xFFFFFC00, v48;
	v47 =	vpop (erf);
	v32 =	vadd.f32 v32, v45  }
0xf7: {  	v46 =	vshrl.u32 v46, $0x17;
	v25 =	vor.u32 v51, v33;
	v24 =	vand.u32 $0xFFFFFC00, v41;
	v49 =	vpop (erf)  }
0xf8: {  	v25 =	vor.u32 v1, v25;
	v48 =	vand.u32 $0xFFFFFC00, v19;
	v19 =	vld.idx.msk [tilespmem:v8+s13+$0x0], $0xffff;
	v50 =	vpop (erf);
	v32 =	vadd.f32 v32, v49  }
0xf9: {  	v51 =	vadd.s32 v16, v23;
	(erf) = vpow2.f32 v22;
	v22 =	vld.idx.msk [tilespmem:v28+s8+$0x0], $0xffff;
	v28 =	vadd.s32 v16, v48;
	v23 =	vpop (erf)  }
0xfa: {  	v24 =	vadd.s32 v16, v24;
	v16 =	vld.idx.msk [tilespmem:v26+s8+$0x0], $0xffff;
	v26 =	vand.u32 $0x7E, v30;
	v30 =	vadd.f32 v32, v23  }
0xfb: {  	v46 =	vand.u32 $0xFF, v46;
	v52 =	vadd.f32 $-1.000000000e+00, v34;
	v38 =	vshrl.u32 v44, $0x17  }
0xfc: {  	v24 =	vor.u32 v27, v24;
	v26 =	vor.u32 v26, v51;
	v27 =	vor.u32 v15, v28;
	v28 =	vpop (erf)  }
0xfd: {  	v15 =	vld.idx.msk [tilespmem:v25+s8+$0x0], $0xffff;
	v25 =	vor.u32 v1, v26;
	v53 =	vmul.f32 v19, v2;
	v26 =	vadd.f32 v30, v28  }
0xfe: {  	v41 =	vsub.f32 $0.0e+00, v20;
	v20 =	vadd.f32 $0.0e+00, v20;
	v24 =	vor.u32 v1, v24;
	v30 =	vpop (erf)  }
0xff: {  	v38 =	vand.u32 $0xFF, v38;
	v57 =	vsub.f32 v10, v53;
	v26 =	vadd.f32 v26, v30  }
0x100: {  	v34 =	vadd.f32 v53, v10;
	v23 =	vld.idx.msk [tilespmem:v29+s8+$0x0], $0xffff;
	v29 =	vadd.f32 $-1.000000000e+00, v31;
	v31 =	vmul.f32 v22, v2;
	v54 =	vpop (erf)  }
0x101: {  	v32 =	vmul.f32 v50, v52;
	v22 =	vsub.f32 v22, v19;
	v26 =	vadd.f32 v26, v54  }
0x102: {  	v19 =	vmul.f32 v17, v19;
	v17 =	vmax.f32 v17, $0.0e+00;
	v28 =	vor.u32 v1, v27;
	v58 =	vpop (erf)  }
0x103: {  	v24 =	vld.idx.msk [tilespmem:v24+s8+$0x0], $0xffff;
	v56 =	vmul.f32 v15, v2;
	v27 =	vor.u32 v3, v27;
	v26 =	vadd.f32 v26, v58  }
0x104: {  	v25 =	vld.idx.msk [tilespmem:v25+s8+$0x0], $0xffff;
	v44 =	vsub.f32 v34, v57;
	v29 =	vmul.f32 v47, v29;
	v40 =	vmul.f32 v32, v32  }
0x105: {  	v47 =	vsub.f32 v21, v35;
	v32 =	vadd.f32 v32, v32;
	v59 =	vand.u32 $0x7FFFFF, v26  }
0x106: {  	v22 =	vmul.f32 v22, v22;
	v19 =	vsub.f32 v17, v19;
	v43 =	vor.u32 $0x3F000000, v59  }
0x107: {  	v39 =	vmul.f32 v29, v29;
	v55 =	vmul.f32 v23, v2;
	v28 =	vld.idx.msk [tilespmem:v28+s8+$0x0], $0xffff;
	v62 =	vadd.f32 $1.000000000e+00, v43  }
0x108: {  	v45 =	vmul.f32 $1.111111120e-01, v40;
	v29 =	vadd.f32 v29, v29;
	v30 =	vmul.f32 v16, v2;
	v27 =	vld.idx.msk [tilespmem:v27+s8+$0x0], $0xffff  }
0x109: {  	v50 =	vsub.f32 v25, v56;
	v49 =	vsub.f32 v24, v55;
	(erf) = vrcp.f32 v62  }
0x10a: {  	v42 =	vmul.f32 $1.111111120e-01, v39;
	v36 =	vadd.f32 v56, v25;
	v33 =	vadd.f32 v55, v24  }
0x10b: {  	v54 =	vadd.f32 $1.428571490e-01, v45;
	v24 =	vmul.f32 v24, v24;
	v51 =	vmax.f32 v49, v57  }
0x10c: {  	v53 =	vmin.f32 v33, v34;
	v55 =	vsub.f32 v33, v49;
	v63 =	vsub.f32 v28, v31  }
0x10d: {  	v26 =	vshrl.u32 v26, $0x17;
	v31 =	vadd.f32 v31, v28;
	v52 =	vsub.f32 v27, v30  }
0x10e: {  	v30 =	vadd.f32 v30, v27;
	v37 =	vmax.f32 v63, v57;
	v57 =	vsub.f32 v36, v50  }
0x10f: {  	v28 =	vsub.f32 v28, v10;
	v27 =	vsub.f32 v27, v9;
	v26 =	vand.u32 $0xFF, v26  }
0x110: {  	v34 =	vmin.f32 v31, v34;
	v48 =	vmax.f32 v63, v35;
	v35 =	vmax.f32 v49, v35  }
0x111: {  	v62 =	vsub.f32 v31, v63;
	v31 =	vmin.f32 v31, v21;
	v63 =	vadd.f32 $-1.000000000e+00, v43  }
0x112: {  	v21 =	vmin.f32 v33, v21;
	v31 =	vsub.f32 v31, v48;
	v48 =	vmul.f32 v57, v55;
	v57 =	vpop (erf)  }
0x113: {  	v10 =	vsub.f32 v23, v10;
	v21 =	vsub.f32 v21, v35;
	v35 =	vmul.f32 v57, v63  }
0x114: {  	v26 =	vadd.s32 $0xFFFFFF82, v26;
	v56 =	vsub.f32 v30, v52;
	v58 =	vmax.f32 v52, v41  }
0x115: {  	v59 =	vmin.f32 v30, v20;
	v49 =	vmax.f32 v50, v41;
	v55 =	vmul.f32 v35, v35  }
0x116: {  	v26 =	vcvt.s32.f32 v26;
	v28 =	vmul.f32 v28, v28;
	v33 =	vsub.f32 v34, v37  }
0x117: {  	v34 =	vsub.f32 v20, v41;
	v20 =	vmin.f32 v36, v20;
	v57 =	vmul.f32 $1.111111120e-01, v55  }
0x118: {  	v10 =	vmul.f32 v10, v10;
	v20 =	vsub.f32 v20, v49;
	v26 =	vmul.f32 $6.931471820e-01, v26  }
0x119: {  	v37 =	vmul.f32 v56, v62;
	v62 =	vsub.f32 v59, v58;
	v59 =	vadd.f32 $1.428571490e-01, v57  }
0x11a: {  	v56 =	vsub.f32 v53, v51;
	v34 =	vmul.f32 v34, v47;
	v31 =	vmax.f32 v31, $0.0e+00  }
0x11b: {  	v63 =	vadd.f32 $1.428571490e-01, v42;
	v42 =	vmul.f32 v54, v40;
	v47 =	vmul.f32 v59, v55  }
0x11c: {  	v21 =	vmax.f32 v21, $0.0e+00;
	v20 =	vmax.f32 v20, $0.0e+00;
	v43 =	vmax.f32 v56, $0.0e+00  }
0x11d: {  	v51 =	vld.idx.msk [tilespmem:v8+s14+$0x0], $0xffff;
	v41 =	vmul.f32 v63, v39;
	v42 =	vadd.f32 $2.000000030e-01, v42;
	v63 =	vadd.f32 $2.000000030e-01, v47  }
0x11e: {  	v58 =	vadd.f32 v37, v34;
	v34 =	vadd.f32 v48, v34;
	v20 =	vmul.f32 v20, v21  }
0x11f: {  	v56 =	vmax.f32 v62, $0.0e+00;
	v42 =	vmul.f32 v42, v40;
	v8 =	vmul.f32 v63, v55  }
0x120: {  	v31 =	vmul.f32 v56, v31;
	v34 =	vsub.f32 v34, v20;
	v21 =	vadd.f32 $2.000000030e-01, v41  }
0x121: {  	v33 =	vmax.f32 v33, $0.0e+00;
	v49 =	vadd.f32 $3.333333430e-01, v42;
	v8 =	vadd.f32 $3.333333430e-01, v8  }
0x122: {  	v62 =	vsub.f32 v58, v31;
	v54 =	vtrunc.f32 v51;
	v21 =	vmul.f32 v21, v39  }
0x123: {  	v47 =	vadd.s32 $0xFFFFFF82, v38;
	v38 =	vmul.f32 v49, v40;
	v8 =	vmul.f32 v8, v55  }
0x124: {  	v35 =	vadd.f32 v35, v35;
	v40 =	vcvt.f32.s32 v54;
	v55 =	vmul.f32 v51, v2  }
0x125: {  	(erf) = vrcp.f32 v62;
	v21 =	vadd.f32 $3.333333430e-01, v21;
	v8 =	vadd.f32 $1.000000000e+00, v8  }
0x126: {  	vm12 =	veq.s32 v40, $0x1;
	v56 =	vsub.f32 v9, v55;
	v57 =	vadd.f32 v55, v9  }
0x127: {  	vm11 =	veq.s32 v40, $0x0;
	v12 =	vsel vm12, v12, v13;
	v8 =	vmul.f32 v8, v35  }
0x128: {  	v13 =	vmax.f32 v52, v56;
	v30 =	vmin.f32 v30, v57;
	v58 =	vsub.f32 v57, v56  }
0x129: {  	v59 =	vmax.f32 v50, v56;
	v36 =	vmin.f32 v36, v57;
	v13 =	vsub.f32 v30, v13  }
0x12a: {  	v11 =	vsel vm11, v11, v12;
	v30 =	vsub.f32 v36, v59;
	v12 =	vmul.f32 v58, v44  }
0x12b: {  	v11 =	vsub.f32 v11, v18;
	v8 =	vadd.f32 v8, v26;
	v13 =	vmax.f32 v13, $0.0e+00  }
0x12c: {  	v26 =	vmax.f32 v30, $0.0e+00;
	v13 =	vmul.f32 v13, v33;
	v18 =	vadd.f32 v37, v12  }
0x12d: {  	(erf) = vrcp.f32 v34;
	v26 =	vmul.f32 v26, v43;
	v12 =	vadd.f32 v48, v12  }
0x12e: {  	v21 =	vmul.f32 v21, v39;
	v7 =	vsub.f32 v8, v11;
	v8 =	vsub.f32 v18, v13  }
0x12f: {  	v11 =	vmul.f32 v27, v27;
	v27 =	vsel vm13, $0x3F800000, v61;
	v12 =	vsub.f32 v12, v26  }
0x130: {  	v21 =	vadd.f32 $1.000000000e+00, v21;
	v7 =	vmul.f32 v7, v27;
	(erf) = vrcp.f32 v8  }
0x131: {  	s30 =	simm.s32 $0x80;
	v53 =	vadd.s32 $0xFFFFFF82, v46;
	v34 =	vcvt.s32.f32 v47;
	(erf) = vrcp.f32 v12  }
0x132: {  	v8 =	vadd.f32 v7, v6;
	v7 =	vmul.f32 v21, v29;
	v21 =	vor.u32 s30, v60  }
0x133: {  	v39 =	vcvt.s32.f32 v53;
	v18 =	vadd.f32 $1.000000000e+00, v38;
	v12 =	vmul.f32 v25, v25  }
0x134: {  	v16 =	vsub.f32 v16, v51;
	v23 =	vmul.f32 $6.931471820e-01, v34;
	v11 =	vadd.f32 v11, v28  }
0x135: {  	v28 =	vpop (erf);
	v18 =	vmul.f32 v18, v32;
	v25 =	vmul.f32 $6.931471820e-01, v39;
	v12 =	vadd.f32 v12, v24  }
0x136: {  	v9 =	vsub.f32 v15, v9;
	v15 =	vmax.f32 v14, $0.0e+00;
	v28 =	vmul.f32 v28, v31;
	v24 =	vpop (erf)  }
0x137: {  	v7 =	vadd.f32 v7, v23;
	v23 =	vadd.f32 v18, v25;
	v20 =	vmul.f32 v24, v20;
	v18 =	vld.idx.msk [tilespmem:v21+s11+$0x0], $0xffff  }
0x138: {  	v16 =	vmul.f32 v16, v16;
	v14 =	vsub.f32 v15, v14;
	v11 =	vadd.f32 v22, v11;
	v17 =	vld.idx.msk [tilespmem:v21+s12+$0x0], $0xffff  }
0x139: {  	s21 =	simm.s32 $0x10;
	v10 =	vadd.f32 v10, v12;
	vm14 =	vgt.f32 v20, v28;
	v20 =	vld.idx.msk [tilespmem:v21+s10+$0x0], $0xffff;
	v12 =	vpop (erf)  }
0x13a: {  	s31 =	sand.u32 $0x10, s21;
	v9 =	vmul.f32 v9, v9;
	v59 =	vadd.f32 v16, v11;
	v14 =	vadd.f32 v7, v14;
	v15 =	vpop (erf)  }
0x13b: {  	v12 =	vmul.f32 v12, v13;
	v13 =	vmul.f32 v15, v26;
	v15 =	vor.u32 s31, v60  }
0x13c: {  	v7 =	vadd.f32 v27, v6;
	v58 =	vadd.f32 v23, v19;
	v16 =	vmul.u32 $0xFFFFFFCF, v15  }
0x13d: {  	v57 =	vadd.f32 v9, v10;
	v23 =	vmul.f32 v18, v2;
	v22 =	vmul.f32 v17, v2  }
0x13e: {  	v15 =	vshrl.u32 v15, $0x3;
	vm15 =	vgt.f32 v13, v12;
	v16 =	vadd.s32 v16, v20  }
0x13f: {  	vm2 =	vmand vm15, vm14;
	vm0 =	vmor vm15, vm14;
	v24 =	vmul.u32 $0x1E, v16  }
0x140: {  	v25 =	vmul.u32 $0x3000, v15;
	v12 =	vsel vm2, $0x0, v27;
	v13 =	vnsel vm0, $0x0, v27  }
0x141: {  	v26 =	vmul.u32 $0xF0, v16;
	v62 =	vmul.f32 v14, v12;
	v14 =	vadd.s32 $0x1C, v24  }
0x142: {  	v15 =	vadd.s32 $0x1D, v24;
	v19 =	vadd.s32 $0x19, v24;
	v37 =	vadd.s32 $0x1A, v24  }
0x143: {  	v36 =	vadd.s32 $0x1B, v24;
	v60 =	vadd.s32 $0x16, v24;
	v61 =	vadd.s32 $0x17, v24  }
0x144: {  	v63 =	vadd.s32 $0x18, v24;
	v53 =	vadd.s32 $0x13, v24;
	v51 =	vadd.s32 $0x14, v24  }
0x145: {  	v56 =	vadd.s32 $0x15, v24;
	v40 =	vadd.s32 $0x10, v24;
	v29 =	vadd.s32 $0x11, v24  }
0x146: {  	v45 =	vadd.s32 $0x12, v24;
	v28 =	vadd.s32 $0xD, v24;
	v27 =	vadd.s32 $0xE, v24  }
0x147: {  	v41 =	vadd.s32 $0xF, v24;
	v52 =	vadd.s32 $0xA, v24;
	v46 =	vadd.s32 $0xB, v24  }
0x148: {  	v50 =	vadd.s32 $0xC, v24;
	v32 =	vand.u32 $0x7F, v36;
	v31 =	vand.u32 $0x7E, v14  }
0x149: {  	v30 =	vand.u32 $0x7F, v15;
	v33 =	vand.u32 $0x7E, v37;
	v42 =	vshll.u32 v14, $0x3  }
0x14a: {  	v43 =	vshll.u32 v15, $0x3;
	v35 =	vand.u32 $0x7E, v63;
	v34 =	vand.u32 $0x7F, v19  }
0x14b: {  	v44 =	vshll.u32 v36, $0x3;
	v36 =	vand.u32 $0x7F, v61;
	v48 =	vshll.u32 v19, $0x3  }
0x14c: {  	v49 =	vshll.u32 v37, $0x3;
	v38 =	vand.u32 $0x7F, v56;
	v37 =	vand.u32 $0x7E, v60  }
0x14d: {  	v47 =	vshll.u32 v63, $0x3;
	v39 =	vand.u32 $0x7E, v51;
	v54 =	vshll.u32 v60, $0x3  }
0x14e: {  	s22 =	simm.s32 $0x2;
	s20 =	simm.s32 $0x1;
	v19 =	vld.idx.msk [tilespmem:v21+s13+$0x0], $0xffff;
	v55 =	vshll.u32 v61, $0x3;
	v15 =	vimm.f32 $0.0e+00;
	v14 =	vimm.f32 $0.0e+00  }
.LBB2_6:
0x14f: {  	[tilespmem:$0x1FFA0] =	vst v58  }
0x150: {  	[tilespmem:$0x1FFD0] =	vst v57;
	v57 =	vand.u32 $0x7E, v45;
	v58 =	vand.u32 $0x7F, v53;
	v56 =	vshll.u32 v56, $0x3  }
0x151: {  	[tilespmem:$0x1FFB0] =	vst v59;
	v59 =	vand.u32 $0x7F, v29;
	v53 =	vshll.u32 v53, $0x3;
	v51 =	vshll.u32 v51, $0x3  }
0x152: {  	v60 =	vand.u32 $0x7F, v41;
	v61 =	vand.u32 $0x7E, v40;
	v45 =	vshll.u32 v45, $0x3  }
0x153: {  	[tilespmem:$0x1FFC0] =	vst v62;
	v62 =	vand.u32 $0x7E, v27;
	v40 =	vshll.u32 v40, $0x3;
	v29 =	vshll.u32 v29, $0x3  }
0x154: {  	v63 =	vand.u32 $0x7E, v50;
	v4 =	vand.u32 $0x7F, v28;
	v41 =	vshll.u32 v41, $0x3  }
0x155: {  	v5 =	vand.u32 $0x7E, v52;
	v0 =	vand.u32 $0x7F, v46;
	v27 =	vshll.u32 v27, $0x3  }
0x156: {  	v52 =	vshll.u32 v52, $0x3;
	v50 =	vshll.u32 v50, $0x3;
	v28 =	vshll.u32 v28, $0x3  }
0x157: {  	v46 =	vshll.u32 v46, $0x3;
	v42 =	vand.u32 $0xFFFFFC00, v42;
	v43 =	vand.u32 $0xFFFFFC00, v43  }
0x158: {  	v48 =	vand.u32 $0xFFFFFC00, v48;
	v49 =	vand.u32 $0xFFFFFC00, v49;
	v44 =	vand.u32 $0xFFFFFC00, v44  }
0x159: {  	v54 =	vand.u32 $0xFFFFFC00, v54;
	v55 =	vand.u32 $0xFFFFFC00, v55;
	v47 =	vand.u32 $0xFFFFFC00, v47  }
0x15a: {  	v53 =	vand.u32 $0xFFFFFC00, v53;
	v3 =	vand.u32 $0xFFFFFC00, v51;
	v56 =	vand.u32 $0xFFFFFC00, v56  }
0x15b: {  	v40 =	vand.u32 $0xFFFFFC00, v40;
	v29 =	vand.u32 $0xFFFFFC00, v29;
	v45 =	vand.u32 $0xFFFFFC00, v45  }
0x15c: {  	v28 =	vand.u32 $0xFFFFFC00, v28;
	v27 =	vand.u32 $0xFFFFFC00, v27;
	v41 =	vand.u32 $0xFFFFFC00, v41  }
0x15d: {  	v51 =	vand.u32 $0xFFFFFC00, v52;
	v46 =	vand.u32 $0xFFFFFC00, v46;
	v50 =	vand.u32 $0xFFFFFC00, v50  }
0x15e: {  	v52 =	vadd.s32 v25, v44;
	v9 =	vadd.s32 v25, v42;
	v10 =	vadd.s32 v25, v43  }
0x15f: {  	v43 =	vadd.s32 v25, v48;
	v11 =	vadd.s32 v25, v49;
	v44 =	vadd.s32 v25, v47  }
0x160: {  	v51 =	vadd.s32 v25, v51;
	v49 =	vadd.s32 v25, v46;
	v28 =	vadd.s32 v25, v28  }
0x161: {  	v27 =	vadd.s32 v25, v27;
	v40 =	vadd.s32 v25, v40;
	v5 =	vor.u32 v5, v51  }
0x162: {  	v29 =	vadd.s32 v25, v29;
	v4 =	vor.u32 v4, v28;
	v5 =	vor.u32 v1, v5  }
0x163: {  	v0 =	vor.u32 v0, v49;
	v51 =	vadd.s32 v25, v50;
	v4 =	vor.u32 v1, v4  }
0x164: {  	v45 =	vadd.s32 v25, v45;
	v0 =	vor.u32 v1, v0;
	v42 =	vor.u32 v63, v51  }
0x165: {  	v27 =	vor.u32 v62, v27;
	v28 =	vadd.s32 v25, v41;
	v42 =	vor.u32 v1, v42  }
0x166: {  	v20 =	vld.idx.msk [tilespmem:v20+s15+$0x0], $0xffff;
	v3 =	vadd.s32 v25, v3;
	v63 =	vor.u32 v1, v27;
	v28 =	vor.u32 v60, v28  }
0x167: {  	v47 =	vadd.s32 v25, v56;
	v60 =	vor.u32 v57, v45;
	v27 =	vld.idx.msk [tilespmem:v5+s8+$0x0], $0xffff;
	v5 =	vor.u32 v1, v28  }
0x168: {  	v35 =	vor.u32 v35, v44;
	v40 =	vor.u32 v61, v40;
	v51 =	vld.idx.msk [tilespmem:v4+s8+$0x0], $0xffff;
	v4 =	vor.u32 v1, v60  }
0x169: {  	v59 =	vor.u32 v59, v29;
	v3 =	vor.u32 v39, v3;
	v28 =	vld.idx.msk [tilespmem:v0+s8+$0x0], $0xffff;
	v0 =	vor.u32 v1, v40  }
0x16a: {  	v61 =	vadd.s32 v25, v53;
	v53 =	vadd.s32 v25, v54;
	v3 =	vor.u32 v1, v3;
	v29 =	vld.idx.msk [tilespmem:v42+s8+$0x0], $0xffff  }
0x16b: {  	v54 =	vadd.s32 v25, v55;
	v62 =	vor.u32 v58, v61;
	v40 =	vor.u32 v1, v59;
	v50 =	vld.idx.msk [tilespmem:v63+s8+$0x0], $0xffff  }
0x16c: {  	v34 =	vor.u32 v34, v43;
	v36 =	vor.u32 v36, v54;
	v63 =	vor.u32 v1, v62;
	v49 =	vld.idx.msk [tilespmem:v5+s8+$0x0], $0xffff  }
0x16d: {  	v11 =	vor.u32 v33, v11;
	v5 =	vor.u32 v38, v47;
	v47 =	vld.idx.msk [tilespmem:v4+s8+$0x0], $0xffff;
	v4 =	vor.u32 v1, v36  }
0x16e: {  	v48 =	vld.idx.msk [tilespmem:v0+s8+$0x0], $0xffff;
	v55 =	vmax.f32 v27, v28;
	v0 =	vor.u32 v1, v5;
	v5 =	vor.u32 v37, v53  }
0x16f: {  	v9 =	vor.u32 v31, v9;
	v44 =	vld.idx.msk [tilespmem:v3+s8+$0x0], $0xffff;
	v56 =	vmax.f32 v55, v29;
	v5 =	vor.u32 v1, v5  }
0x170: {  	v31 =	vadd.s32 $0x9, v24;
	v35 =	vor.u32 v1, v35;
	v46 =	vld.idx.msk [tilespmem:v40+s8+$0x0], $0xffff;
	v36 =	vmax.f32 v56, v51  }
0x171: {  	s23 =	sshrl.u32 s20, $0x1;
	v41 =	vadd.s32 $0x5, v24;
	v3 =	vor.u32 v1, v34;
	v45 =	vld.idx.msk [tilespmem:v63+s8+$0x0], $0xffff;
	v57 =	vmax.f32 v36, v50  }
0x172: {  	vm13 =	veq.s32 v20, s23;
	v58 =	vmax.f32 v57, v49;
	v40 =	vld.idx.msk [tilespmem:v4+s8+$0x0], $0xffff;
	v4 =	vor.u32 v1, v9  }
0x173: {  	v9 =	vor.u32 v30, v10;
	v43 =	vld.idx.msk [tilespmem:v0+s8+$0x0], $0xffff;
	v0 =	vor.u32 v1, v11;
	v11 =	vor.u32 v32, v52  }
0x174: {  	v9 =	vor.u32 v1, v9;
	v42 =	vld.idx.msk [tilespmem:v5+s8+$0x0], $0xffff;
	v5 =	vor.u32 v1, v11;
	v11 =	vmax.f32 v58, v48  }
0x175: {  	v39 =	vld.idx.msk [tilespmem:v35+s8+$0x0], $0xffff;
	v38 =	vadd.s32 $0x6, v24;
	v10 =	vmax.f32 v11, v46;
	v11 =	vadd.s32 $0x4, v24  }
0x176: {  	v37 =	vld.idx.msk [tilespmem:v3+s8+$0x0], $0xffff;
	v52 =	vadd.s32 $0x8, v24;
	v10 =	vmax.f32 v10, v47;
	v30 =	vshll.u32 v11, $0x3  }
0x177: {  	v3 =	vmax.f32 v10, v45;
	v10 =	vand.u32 $0xFFFFFC00, v30;
	v30 =	vshll.u32 v31, $0x3;
	v34 =	vld.idx.msk [tilespmem:v4+s8+$0x0], $0xffff  }
0x178: {  	v4 =	vand.u32 $0x7F, v31;
	v36 =	vld.idx.msk [tilespmem:v0+s8+$0x0], $0xffff;
	v0 =	vmax.f32 v3, v44;
	v3 =	vadd.s32 v25, v10  }
0x179: {  	v10 =	vand.u32 $0xFFFFFC00, v30;
	v33 =	vld.idx.msk [tilespmem:v9+s8+$0x0], $0xffff;
	v9 =	vadd.s32 $0x3, v24;
	v0 =	vmax.f32 v0, v43  }
0x17a: {  	v35 =	vld.idx.msk [tilespmem:v5+s8+$0x0], $0xffff;
	v5 =	vand.u32 $0x7E, v11;
	v10 =	vadd.s32 v25, v10;
	v0 =	vmax.f32 v0, v42  }
0x17b: {  	v31 =	vshll.u32 v9, $0x3;
	v3 =	vor.u32 v5, v3;
	v0 =	vmax.f32 v0, v40  }
0x17c: {  	v4 =	vor.u32 v4, v10;
	v5 =	vadd.s32 $0x2, v24;
	v0 =	vmax.f32 v0, v39  }
0x17d: {  	v10 =	vadd.s32 $0x7, v24;
	v4 =	vor.u32 v1, v4;
	v0 =	vmax.f32 v0, v37  }
0x17e: {  	v3 =	vor.u32 v1, v3;
	v11 =	vshll.u32 v5, $0x3;
	v0 =	vmax.f32 v0, v36  }
0x17f: {  	v59 =	vshll.u32 v10, $0x3;
	v5 =	vand.u32 $0x7E, v5;
	v0 =	vmax.f32 v0, v35  }
0x180: {  	v10 =	vand.u32 $0x7F, v10;
	v11 =	vand.u32 $0xFFFFFC00, v11;
	v0 =	vmax.f32 v0, v34  }
0x181: {  	v60 =	vand.u32 $0xFFFFFC00, v59;
	v59 =	vshll.u32 v41, $0x3;
	v32 =	vmax.f32 v0, v33  }
0x182: {  	v11 =	vadd.s32 v25, v11;
	v0 =	vand.u32 $0xFFFFFC00, v31;
	v31 =	vld.idx.msk [tilespmem:v4+s8+$0x0], $0xffff;
	v4 =	vsub.f32 v27, v32  }
0x183: {  	v53 =	vadd.s32 v25, v60;
	v60 =	vshll.u32 v38, $0x3;
	v61 =	vsub.f32 v28, v32  }
0x184: {  	v5 =	vor.u32 v5, v11;
	v10 =	vor.u32 v10, v53;
	v30 =	vld.idx.msk [tilespmem:v3+s8+$0x0], $0xffff;
	v4 =	vmul.f32 $1.442695020e+00, v4  }
0x185: {  	v53 =	vand.u32 $0xFFFFFC00, v60;
	v62 =	vsub.f32 v29, v32;
	v54 =	vmul.f32 $1.442695020e+00, v61  }
0x186: {  	v5 =	vor.u32 v1, v5;
	v3 =	vshll.u32 v52, $0x3;
	(erf) = vpow2.f32 v4  }
0x187: {  	v51 =	vsub.f32 v51, v32;
	v4 =	vmul.f32 $1.442695020e+00, v62;
	(erf) = vpow2.f32 v54  }
0x188: {  	v10 =	vor.u32 v1, v10;
	v3 =	vand.u32 $0xFFFFFC00, v3;
	v50 =	vsub.f32 v50, v32  }
0x189: {  	v51 =	vmul.f32 $1.442695020e+00, v51;
	v63 =	vand.u32 $0x7FFFFFFF, v30;
	(erf) = vpow2.f32 v4  }
0x18a: {  	v49 =	vsub.f32 v49, v32;
	v4 =	vand.u32 $0x7F, v9;
	v9 =	vsub.f32 $0.0e+00, v63  }
0x18b: {  	v50 =	vmul.f32 $1.442695020e+00, v50;
	v57 =	vand.u32 $0x7FFFFFFF, v31;
	(erf) = vpow2.f32 v51  }
0x18c: {  	v0 =	vadd.s32 v25, v0;
	v58 =	vsub.f32 $0.0e+00, v57;
	v9 =	vmul.f32 $1.442695020e+00, v9  }
0x18d: {  	v16 =	vsub.f32 v48, v32;
	v49 =	vmul.f32 $1.442695020e+00, v49;
	(erf) = vpow2.f32 v50  }
0x18e: {  	v46 =	vsub.f32 v46, v32;
	v54 =	vmul.f32 $1.442695020e+00, v58;
	(erf) = vpow2.f32 v9  }
0x18f: {  	v47 =	vsub.f32 v47, v32;
	v16 =	vmul.f32 $1.442695020e+00, v16;
	v61 =	vpop (erf);
	(erf) = vpow2.f32 v49  }
0x190: {  	v44 =	vsub.f32 v44, v32;
	v40 =	vsub.f32 v40, v32;
	(erf) = vpow2.f32 v54;
	v63 =	vpop (erf)  }
0x191: {  	v46 =	vmul.f32 $1.442695020e+00, v46;
	v48 =	vadd.f32 v63, v61;
	(erf) = vpow2.f32 v16  }
0x192: {  	v39 =	vsub.f32 v39, v32;
	v11 =	vmul.f32 $1.442695020e+00, v47;
	v0 =	vor.u32 v4, v0;
	v9 =	vpop (erf)  }
0x193: {  	v4 =	vsub.f32 v45, v32;
	(erf) = vpow2.f32 v46;
	v9 =	vadd.f32 v48, v9  }
0x194: {  	v37 =	vsub.f32 v37, v32;
	v36 =	vsub.f32 v36, v32;
	v62 =	vand.u32 $0x7E, v52;
	v52 =	vpop (erf)  }
0x195: {  	v4 =	vmul.f32 $1.442695020e+00, v4;
	(erf) = vpow2.f32 v11;
	v9 =	vadd.f32 v9, v52  }
0x196: {  	v3 =	vadd.s32 v25, v3;
	v35 =	vsub.f32 v35, v32;
	v54 =	vsub.f32 v43, v32;
	v55 =	vpop (erf)  }
0x197: {  	v44 =	vmul.f32 $1.442695020e+00, v44;
	v56 =	vpop (erf);
	(erf) = vpow2.f32 v4;
	v9 =	vadd.f32 v9, v55  }
0x198: {  	v40 =	vmul.f32 $1.442695020e+00, v40;
	v46 =	vmul.f32 $1.442695020e+00, v54;
	v4 =	vand.u32 $0xFFFFFC00, v26;
	v57 =	vpop (erf)  }
0x199: {  	v26 =	vsub.f32 v42, v32;
	v9 =	vadd.f32 v9, v57;
	v58 =	vpop (erf);
	(erf) = vpow2.f32 v44  }
0x19a: {  	v39 =	vmul.f32 $1.442695020e+00, v39;
	v3 =	vor.u32 v62, v3;
	v43 =	vadd.f32 $1.000000000e+00, v56;
	v60 =	vpop (erf)  }
0x19b: {  	v26 =	vmul.f32 $1.442695020e+00, v26;
	(erf) = vpow2.f32 v46;
	v9 =	vadd.f32 v9, v60  }
0x19c: {  	v11 =	vand.u32 $0xFFFFFC00, v59;
	v59 =	vand.u32 $0x7FFFFF, v43;
	v42 =	vadd.f32 $1.000000000e+00, v58;
	v62 =	vpop (erf)  }
0x19d: {  	v44 =	vor.u32 $0x3F000000, v59;
	(erf) = vpow2.f32 v26;
	v9 =	vadd.f32 v9, v62  }
0x19e: {  	v3 =	vor.u32 v1, v3;
	v16 =	vadd.f32 $1.000000000e+00, v44;
	v61 =	vand.u32 $0x7FFFFF, v42;
	v63 =	vpop (erf)  }
0x19f: {  	(erf) = vpow2.f32 v40;
	v46 =	vor.u32 $0x3F000000, v61;
	v9 =	vadd.f32 v9, v63  }
0x1a0: {  	v0 =	vor.u32 v1, v0;
	(erf) = vrcp.f32 v16;
	v47 =	vadd.f32 $1.000000000e+00, v46;
	v26 =	vpop (erf)  }
0x1a1: {  	(erf) = vpow2.f32 v39;
	v9 =	vadd.f32 v9, v26;
	v26 =	vmul.f32 $1.442695020e+00, v37  }
0x1a2: {  	v50 =	vmul.f32 $1.442695020e+00, v35;
	v11 =	vadd.s32 v25, v11;
	(erf) = vrcp.f32 v47;
	v48 =	vpop (erf)  }
0x1a3: {  	v16 =	vmul.f32 $1.442695020e+00, v36;
	v9 =	vadd.f32 v9, v48;
	(erf) = vpow2.f32 v26  }
0x1a4: {  	v52 =	vadd.s32 v25, v53;
	v55 =	vadd.f32 $-1.000000000e+00, v44;
	v58 =	vmul.f32 v19, v2;
	v49 =	vpop (erf)  }
0x1a5: {  	v26 =	vsub.f32 v34, v32;
	(erf) = vpow2.f32 v16;
	v9 =	vadd.f32 v9, v49  }
0x1a6: {  	v4 =	vadd.s32 v25, v4;
	v61 =	vadd.f32 v58, v18;
	v16 =	vsub.f32 v33, v32;
	v51 =	vpop (erf)  }
0x1a7: {  	v33 =	vld.idx.msk [tilespmem:v5+s8+$0x0], $0xffff;
	(erf) = vpow2.f32 v50;
	v5 =	vadd.f32 v9, v51;
	v9 =	vmul.f32 $1.442695020e+00, v26  }
0x1a8: {  	v56 =	vadd.f32 $-1.000000000e+00, v46;
	v47 =	vshrl.u32 v43, $0x17;
	v53 =	vpop (erf);
	v26 =	vand.u32 $0x7F, v41  }
0x1a9: {  	v25 =	vld.idx.msk [tilespmem:v0+s8+$0x0], $0xffff;
	v54 =	vpop (erf);
	v0 =	vadd.f32 v5, v53;
	v5 =	vmul.f32 $1.442695020e+00, v16;
	(erf) = vpow2.f32 v9  }
0x1aa: {  	v11 =	vor.u32 v26, v11;
	v26 =	vld.idx.msk [tilespmem:v10+s8+$0x0], $0xffff;
	v10 =	vpop (erf);
	v9 =	vand.u32 $0x7E, v24;
	v24 =	vand.u32 $0x7E, v38  }
0x1ab: {  	v34 =	vor.u32 v24, v52;
	v24 =	vld.idx.msk [tilespmem:v3+s8+$0x0], $0xffff;
	v3 =	vpop (erf);
	v0 =	vadd.f32 v0, v10;
	(erf) = vpow2.f32 v5  }
0x1ac: {  	v43 =	vsub.f32 $0.0e+00, v22;
	v47 =	vand.u32 $0xFF, v47;
	v5 =	vor.u32 v1, v11;
	v10 =	vpop (erf)  }
0x1ad: {  	v4 =	vor.u32 v9, v4;
	v9 =	vor.u32 v1, v34;
	v0 =	vadd.f32 v0, v10  }
0x1ae: {  	v48 =	vadd.f32 $0.0e+00, v23;
	v50 =	vadd.f32 $0.0e+00, v22;
	v16 =	vld [tilespmem:$0x1FFF0];
	v11 =	vor.u32 v1, v4;
	v57 =	vpop (erf)  }
0x1af: {  	v41 =	vsub.f32 $0.0e+00, v23;
	v39 =	vmul.f32 v54, v55;
	v0 =	vadd.f32 v0, v57  }
0x1b0: {  	v38 =	vmul.f32 v25, v2;
	v53 =	vshrl.u32 v42, $0x17;
	v37 =	vmul.f32 v3, v56;
	v3 =	vpop (erf)  }
0x1b1: {  	v52 =	vsub.f32 v48, v41;
	v10 =	vmul.f32 v33, v2;
	v35 =	vld.idx.msk [tilespmem:v5+s8+$0x0], $0xffff;
	v0 =	vadd.f32 v0, v3  }
0x1b2: {  	v45 =	vmul.f32 v37, v37;
	v37 =	vadd.f32 v37, v37;
	v33 =	vsub.f32 v33, v19;
	v34 =	vld.idx.msk [tilespmem:v9+s8+$0x0], $0xffff;
	v60 =	vpop (erf)  }
0x1b3: {  	v4 =	vor.u32 v16, v4;
	v11 =	vld.idx.msk [tilespmem:v11+s8+$0x0], $0xffff;
	v3 =	vsub.f32 v18, v58;
	v0 =	vadd.f32 v0, v60  }
0x1b4: {  	v5 =	vmul.f32 v26, v2;
	v9 =	vmul.f32 v39, v39;
	v39 =	vadd.f32 v39, v39;
	v23 =	vpop (erf)  }
0x1b5: {  	v59 =	vmul.f32 v24, v2;
	v22 =	vsub.f32 v61, v3;
	v0 =	vadd.f32 v0, v23  }
0x1b6: {  	v19 =	vmul.f32 v31, v19;
	v42 =	vsub.f32 v35, v5;
	v5 =	vadd.f32 v5, v35  }
0x1b7: {  	v51 =	vmul.f32 $1.111111120e-01, v45;
	v36 =	vsub.f32 v34, v59;
	v23 =	vadd.f32 v59, v34  }
0x1b8: {  	v49 =	vmul.f32 $1.111111120e-01, v9;
	v54 =	vsub.f32 v11, v10;
	v10 =	vadd.f32 v10, v11  }
0x1b9: {  	v11 =	vsub.f32 v11, v18;
	v35 =	vmul.f32 v35, v35;
	v62 =	vand.u32 $0x7FFFFF, v0  }
0x1ba: {  	v4 =	vld.idx.msk [tilespmem:v4+s8+$0x0], $0xffff;
	v18 =	vsub.f32 v26, v18;
	v55 =	vmax.f32 v42, v3;
	v44 =	vor.u32 $0x3F000000, v62  }
0x1bb: {  	v57 =	vmin.f32 v5, v61;
	v3 =	vmax.f32 v54, v3;
	v63 =	vadd.f32 $1.000000000e+00, v44  }
0x1bc: {  	v46 =	vmin.f32 v10, v61;
	v56 =	vsub.f32 v10, v54;
	v58 =	vsub.f32 v5, v42  }
0x1bd: {  	v60 =	vsub.f32 v23, v36;
	v54 =	vmax.f32 v54, v41;
	(erf) = vrcp.f32 v63  }
0x1be: {  	v10 =	vmin.f32 v10, v48;
	v16 =	vmax.f32 v36, v43;
	v5 =	vmin.f32 v5, v48  }
0x1bf: {  	v11 =	vmul.f32 v11, v11;
	v0 =	vshrl.u32 v0, $0x17;
	v40 =	vsub.f32 v4, v38  }
0x1c0: {  	v18 =	vmul.f32 v18, v18;
	v38 =	vadd.f32 v38, v4;
	v3 =	vsub.f32 v46, v3  }
0x1c1: {  	v46 =	vmin.f32 v23, v50;
	v57 =	vsub.f32 v57, v55;
	v10 =	vsub.f32 v10, v54  }
0x1c2: {  	v54 =	vadd.f32 $1.428571490e-01, v49;
	v55 =	vadd.f32 $1.428571490e-01, v51;
	v0 =	vand.u32 $0xFF, v0  }
0x1c3: {  	v4 =	vsub.f32 v4, v17;
	v16 =	vsub.f32 v46, v16;
	v0 =	vadd.s32 $0xFFFFFF82, v0  }
0x1c4: {  	v59 =	vsub.f32 v38, v40;
	v61 =	vmax.f32 v40, v43;
	v63 =	vmax.f32 v42, v41  }
0x1c5: {  	v62 =	vmin.f32 v38, v50;
	v5 =	vsub.f32 v5, v63;
	v63 =	vadd.f32 $-1.000000000e+00, v44  }
0x1c6: {  	v43 =	vsub.f32 v50, v43;
	v3 =	vmax.f32 v3, $0.0e+00;
	v41 =	vmul.f32 v59, v56;
	v56 =	vpop (erf)  }
0x1c7: {  	v46 =	vmul.f32 v55, v45;
	v59 =	vsub.f32 v62, v61;
	v49 =	vmul.f32 v56, v63  }
0x1c8: {  	v48 =	vmax.f32 v57, $0.0e+00;
	v4 =	vmul.f32 v4, v4;
	v0 =	vcvt.s32.f32 v0  }
0x1c9: {  	v44 =	vmul.f32 v54, v9;
	v57 =	vmax.f32 v59, $0.0e+00;
	v59 =	vmul.f32 v49, v49  }
0x1ca: {  	v16 =	vmax.f32 v16, $0.0e+00;
	v46 =	vadd.f32 $2.000000030e-01, v46;
	v5 =	vmax.f32 v5, $0.0e+00  }
0x1cb: {  	v5 =	vmul.f32 v16, v5;
	v16 =	vadd.f32 $2.000000030e-01, v44;
	v62 =	vmul.f32 $1.111111120e-01, v59  }
0x1cc: {  	v10 =	vmax.f32 v10, $0.0e+00;
	v42 =	vmul.f32 v60, v58;
	v52 =	vmul.f32 v43, v52  }
0x1cd: {  	v21 =	vld.idx.msk [tilespmem:v21+s14+$0x0], $0xffff;
	v46 =	vmul.f32 v46, v45;
	v16 =	vmul.f32 v16, v9;
	v44 =	vadd.f32 $1.428571490e-01, v62  }
0x1ce: {  	v60 =	vlaneseq.u32;
	v58 =	vadd.f32 v41, v52;
	v43 =	vmul.f32 v57, v10  }
0x1cf: {  	v46 =	vadd.f32 $3.333333430e-01, v46;
	v16 =	vadd.f32 $3.333333430e-01, v16;
	v44 =	vmul.f32 v44, v59  }
0x1d0: {  	v0 =	vmul.f32 $6.931471820e-01, v0;
	v10 =	vadd.f32 v42, v52;
	v50 =	vsub.f32 v58, v43  }
0x1d1: {  	v45 =	vmul.f32 v46, v45;
	v9 =	vmul.f32 v16, v9;
	v16 =	vadd.f32 $2.000000030e-01, v44  }
0x1d2: {  	v4 =	vadd.f32 v4, v11;
	v10 =	vsub.f32 v10, v5;
	v58 =	vmul.f32 v21, v2  }
0x1d3: {  	(erf) = vrcp.f32 v50;
	v45 =	vadd.f32 $1.000000000e+00, v45;
	v16 =	vmul.f32 v16, v59  }
0x1d4: {  	v63 =	vand.u32 $0xFF, v53;
	(erf) = vrcp.f32 v10;
	v56 =	vtrunc.f32 v21  }
0x1d5: {  	v10 =	vadd.s32 $0xFFFFFF82, v47;
	v46 =	vcvt.f32.s32 v56;
	v16 =	vadd.f32 $3.333333430e-01, v16  }
0x1d6: {  	v55 =	vadd.s32 $0xFFFFFF82, v63;
	v10 =	vcvt.s32.f32 v10;
	v9 =	vadd.f32 $1.000000000e+00, v9  }
0x1d7: {  	v49 =	vadd.f32 v49, v49;
	vm1 =	veq.s32 v46, $0x1;
	v16 =	vmul.f32 v16, v59  }
0x1d8: {  	vm0 =	veq.s32 v46, $0x0;
	v28 =	vsel vm1, v28, v29;
	v29 =	vadd.f32 v58, v17  }
0x1d9: {  	v10 =	vmul.f32 $6.931471820e-01, v10;
	v9 =	vmul.f32 v9, v39;
	v16 =	vadd.f32 $1.000000000e+00, v16  }
0x1da: {  	v27 =	vsel vm0, v27, v28;
	v62 =	vsub.f32 v17, v58;
	v23 =	vmin.f32 v23, v29  }
0x1db: {  	v17 =	vsub.f32 v24, v17;
	v9 =	vadd.f32 v9, v10;
	v16 =	vmul.f32 v16, v49  }
0x1dc: {  	v40 =	vmax.f32 v40, v62;
	v28 =	vmax.f32 v36, v62;
	v63 =	vsub.f32 v29, v62  }
0x1dd: {  	v0 =	vadd.f32 v16, v0;
	v16 =	vsub.f32 v27, v32;
	v27 =	vmin.f32 v38, v29  }
0x1de: {  	v61 =	vimm.f32 $0.0e+00;
	v23 =	vsub.f32 v23, v28;
	v20 =	vsub.f32 v27, v40  }
0x1df: {  	v44 =	vcvt.s32.f32 v55;
	v22 =	vmul.f32 v63, v22;
	v0 =	vsub.f32 v0, v16  }
0x1e0: {  	v23 =	vmax.f32 v23, $0.0e+00;
	v16 =	vsel vm13, $0x3F800000, v61;
	v20 =	vmax.f32 v20, $0.0e+00  }
0x1e1: {  	v0 =	vmul.f32 v0, v16;
	v3 =	vmul.f32 v20, v3;
	v20 =	vadd.f32 v41, v22  }
0x1e2: {  	v23 =	vmul.f32 v23, v48;
	v27 =	vmul.f32 v34, v34;
	v22 =	vadd.f32 v42, v22  }
0x1e3: {  	v26 =	vmul.f32 $6.931471820e-01, v44;
	v8 =	vadd.f32 v0, v8;
	v0 =	vsub.f32 v20, v3  }
0x1e4: {  	v57 =	vpop (erf);
	v11 =	vadd.f32 v27, v35;
	v20 =	vsub.f32 v22, v23;
	v22 =	vmul.f32 v45, v37  }
0x1e5: {  	s30 =	sshll.u32 s22, $0x7;
	v59 =	vpop (erf);
	v27 =	vmax.f32 v31, $0.0e+00;
	(erf) = vrcp.f32 v0;
	v0 =	vmul.f32 v33, v33  }
0x1e6: {  	(erf) = vrcp.f32 v20;
	v20 =	vsub.f32 v25, v21;
	v21 =	vor.u32 s30, v60  }
0x1e7: {  	v0 =	vadd.f32 v0, v4;
	v4 =	vadd.f32 v18, v11;
	v11 =	vmul.f32 v17, v17  }
0x1e8: {  	v10 =	vadd.f32 v22, v26;
	v17 =	vsub.f32 v27, v19  }
0x1e9: {  	v5 =	vmul.f32 v59, v5;
	v4 =	vadd.f32 v11, v4;
	v11 =	vld [tilespmem:$0x1FFA0]  }
0x1ea: {  	v25 =	vmul.f32 v57, v43;
	v20 =	vmul.f32 v20, v20;
	v58 =	vadd.f32 v10, v17;
	v10 =	vld [tilespmem:$0x1FFB0]  }
0x1eb: {  	v24 =	vmax.f32 v30, $0.0e+00;
	v17 =	vld [tilespmem:$0x1FFC0]  }
0x1ec: {  	s21 =	sadd.s32 $0x10, s21;
	vm14 =	vgt.f32 v5, v25;
	v5 =	vsub.f32 v24, v30;
	v0 =	vadd.f32 v20, v0;
	v20 =	vld.idx.msk [tilespmem:v21+s10+$0x0], $0xffff  }
0x1ed: {  	s31 =	sand.u32 $0x10, s21;
	v18 =	vld.idx.msk [tilespmem:v21+s11+$0x0], $0xffff  }
0x1ee: {  	v25 =	vor.u32 s31, v60;
	v5 =	vadd.f32 v9, v5;
	v59 =	vmovc v0;
	v11 =	vmul.f32 v11, v13  }
0x1ef: {  	v0 =	vmul.u32 $0xFFFFFFCF, v25;
	v9 =	vpop (erf);
	v10 =	vmul.f32 v12, v10;
	v12 =	vadd.f32 v13, v12  }
0x1f0: {  	v7 =	vadd.f32 v16, v7;
	v3 =	vmul.f32 v9, v3;
	v9 =	vpop (erf);
	v11 =	vadd.f32 v11, v17  }
0x1f1: {  	v9 =	vmul.f32 v9, v23;
	v15 =	vadd.f32 v12, v15;
	v0 =	vadd.s32 v0, v20  }
0x1f2: {  	v23 =	vmul.f32 v18, v2;
	v24 =	vmul.u32 $0x1E, v0;
	v26 =	vmul.u32 $0xF0, v0  }
0x1f3: {  	v0 =	vshrl.u32 v25, $0x3;
	v6 =	vadd.f32 v11, v6;
	vm15 =	vgt.f32 v9, v3  }
0x1f4: {  	v25 =	vmul.u32 $0x3000, v0;
	vm2 =	vmand vm15, vm14;
	vm0 =	vmor vm15, vm14  }
0x1f5: {  	v57 =	vmovc v4;
	v0 =	vadd.s32 $0x1C, v24;
	v3 =	vadd.s32 $0x1D, v24;
	v4 =	vadd.s32 $0x19, v24  }
0x1f6: {  	v9 =	vadd.s32 $0x1B, v24;
	v11 =	vadd.s32 $0x17, v24;
	v53 =	vadd.s32 $0x13, v24  }
0x1f7: {  	v51 =	vadd.s32 $0x14, v24;
	v56 =	vadd.s32 $0x15, v24;
	v40 =	vadd.s32 $0x10, v24  }
0x1f8: {  	v29 =	vadd.s32 $0x11, v24;
	v45 =	vadd.s32 $0x12, v24;
	v28 =	vadd.s32 $0xD, v24  }
0x1f9: {  	v17 =	vld [tilespmem:$0x1FFD0];
	v27 =	vadd.s32 $0xE, v24;
	v41 =	vadd.s32 $0xF, v24;
	v52 =	vadd.s32 $0xA, v24  }
0x1fa: {  	v46 =	vadd.s32 $0xB, v24;
	v50 =	vadd.s32 $0xC, v24;
	v12 =	vsel vm2, $0x0, v16  }
0x1fb: {  	v32 =	vand.u32 $0x7F, v9;
	v31 =	vand.u32 $0x7E, v0;
	v30 =	vand.u32 $0x7F, v3  }
0x1fc: {  	v42 =	vshll.u32 v0, $0x3;
	v43 =	vshll.u32 v3, $0x3;
	v34 =	vand.u32 $0x7F, v4  }
0x1fd: {  	v44 =	vshll.u32 v9, $0x3;
	v36 =	vand.u32 $0x7F, v11;
	v48 =	vshll.u32 v4, $0x3  }
0x1fe: {  	p0 =	sne.s32 s22, $0x13;
	v38 =	vand.u32 $0x7F, v56;
	v39 =	vand.u32 $0x7E, v51;
	v22 =	vmul.f32 v13, v17;
	v17 =	vld.idx.msk [tilespmem:v21+s12+$0x0], $0xffff  }
.Ltmp2:
0x1ff: {  	v55 =	vshll.u32 v11, $0x3;
	v13 =	vnsel vm0, $0x0, v16;
	v62 =	vmul.f32 v5, v12;
	(pc) =	sbr.rel @p0 .LBB2_6-.Ltmp2, $4  }
0x200: {  	v5 =	vadd.s32 $0x1A, v24;
	v16 =	vadd.s32 $0x18, v24;
	v10 =	vadd.f32 v22, v10  }
0x201: {  	v33 =	vand.u32 $0x7E, v5;
	v35 =	vand.u32 $0x7E, v16;
	v49 =	vshll.u32 v5, $0x3  }
0x202: {  	v47 =	vshll.u32 v16, $0x3;
	v14 =	vadd.f32 v10, v14;
	v10 =	vadd.s32 $0x16, v24  }
0x203: {  	s20 =	smov.u32 s22;
	s22 =	sadd.s32 $0x1, s22;
	v19 =	vld.idx.msk [tilespmem:v21+s13+$0x0], $0xffff;
	v22 =	vmul.f32 v17, v2;
	v37 =	vand.u32 $0x7E, v10;
	v54 =	vshll.u32 v10, $0x3  }
0x204: {  	v0 =	vand.u32 $0x7E, v45;
	v3 =	vand.u32 $0x7F, v53  }
0x205: {  	v4 =	vshll.u32 v56, $0x3;
	v5 =	vshll.u32 v52, $0x3;
	v9 =	vand.u32 $0x7F, v29  }
0x206: {  	v10 =	vshll.u32 v53, $0x3;
	v11 =	vshll.u32 v51, $0x3;
	v16 =	vand.u32 $0x7E, v52  }
0x207: {  	v51 =	vand.u32 $0x7F, v41;
	v56 =	vshll.u32 v46, $0x3;
	v63 =	vshll.u32 v50, $0x3  }
0x208: {  	v45 =	vshll.u32 v45, $0x3;
	v29 =	vshll.u32 v29, $0x3;
	v41 =	vshll.u32 v41, $0x3  }
0x209: {  	v42 =	vand.u32 $0xFFFFFC00, v42;
	v43 =	vand.u32 $0xFFFFFC00, v43;
	v48 =	vand.u32 $0xFFFFFC00, v48  }
0x20a: {  	v49 =	vand.u32 $0xFFFFFC00, v49;
	v44 =	vand.u32 $0xFFFFFC00, v44;
	v53 =	vand.u32 $0xFFFFFC00, v54  }
0x20b: {  	v54 =	vand.u32 $0xFFFFFC00, v55;
	v47 =	vand.u32 $0xFFFFFC00, v47;
	v5 =	vand.u32 $0xFFFFFC00, v5  }
0x20c: {  	v52 =	vand.u32 $0xFFFFFC00, v56;
	v56 =	vand.u32 $0x7F, v46;
	v10 =	vand.u32 $0xFFFFFC00, v10  }
0x20d: {  	v11 =	vand.u32 $0xFFFFFC00, v11;
	v4 =	vand.u32 $0xFFFFFC00, v4;
	v29 =	vand.u32 $0xFFFFFC00, v29  }
0x20e: {  	v45 =	vand.u32 $0xFFFFFC00, v45;
	v41 =	vand.u32 $0xFFFFFC00, v41;
	v44 =	vadd.s32 v25, v44  }
0x20f: {  	v42 =	vadd.s32 v25, v42;
	v43 =	vadd.s32 v25, v43;
	v48 =	vadd.s32 v25, v48  }
0x210: {  	v49 =	vadd.s32 v25, v49;
	v47 =	vadd.s32 v25, v47;
	v5 =	vadd.s32 v25, v5  }
0x211: {  	v52 =	vadd.s32 v25, v52;
	v41 =	vadd.s32 v25, v41;
	v29 =	vadd.s32 v25, v29  }
0x212: {  	v10 =	vadd.s32 v25, v10;
	v5 =	vor.u32 v16, v5;
	v16 =	vand.u32 $0x7E, v50  }
0x213: {  	v50 =	vand.u32 $0xFFFFFC00, v63;
	v46 =	vor.u32 v56, v52;
	v63 =	vshll.u32 v28, $0x3  }
0x214: {  	v56 =	vand.u32 $0x7F, v28;
	v50 =	vadd.s32 v25, v50;
	v52 =	vand.u32 $0xFFFFFC00, v63  }
0x215: {  	v63 =	vshll.u32 v27, $0x3;
	v5 =	vor.u32 v1, v5;
	v46 =	vor.u32 v1, v46  }
0x216: {  	v16 =	vor.u32 v16, v50;
	v50 =	vand.u32 $0x7E, v40;
	v52 =	vadd.s32 v25, v52  }
0x217: {  	v28 =	vor.u32 v56, v52;
	v52 =	vand.u32 $0x7E, v27;
	v27 =	vand.u32 $0xFFFFFC00, v63  }
0x218: {  	v40 =	vshll.u32 v40, $0x3;
	v16 =	vor.u32 v1, v16;
	v27 =	vadd.s32 v25, v27  }
0x219: {  	v40 =	vand.u32 $0xFFFFFC00, v40;
	v55 =	vor.u32 v1, v28;
	v27 =	vor.u32 v52, v27  }
0x21a: {  	v56 =	vor.u32 v51, v41;
	v40 =	vadd.s32 v25, v40;
	v63 =	vor.u32 v1, v27  }
0x21b: {  	v4 =	vadd.s32 v25, v4;
	v51 =	vor.u32 v1, v56;
	v27 =	vld.idx.msk [tilespmem:v5+s8+$0x0], $0xffff;
	v5 =	vor.u32 v50, v40  }
0x21c: {  	v9 =	vor.u32 v9, v29;
	v50 =	vadd.s32 v25, v45;
	v28 =	vld.idx.msk [tilespmem:v46+s8+$0x0], $0xffff;
	v5 =	vor.u32 v1, v5  }
0x21d: {  	v35 =	vor.u32 v35, v47;
	v9 =	vor.u32 v1, v9;
	v0 =	vor.u32 v0, v50;
	v29 =	vld.idx.msk [tilespmem:v16+s8+$0x0], $0xffff  }
0x21e: {  	v3 =	vor.u32 v3, v10;
	v52 =	vadd.s32 v25, v11;
	v0 =	vor.u32 v1, v0;
	v16 =	vld.idx.msk [tilespmem:v55+s8+$0x0], $0xffff  }
0x21f: {  	v4 =	vor.u32 v38, v4;
	v3 =	vor.u32 v1, v3;
	v10 =	vor.u32 v39, v52;
	v11 =	vld.idx.msk [tilespmem:v63+s8+$0x0], $0xffff  }
0x220: {  	v4 =	vor.u32 v1, v4;
	v10 =	vor.u32 v1, v10;
	v39 =	vld.idx.msk [tilespmem:v51+s8+$0x0], $0xffff;
	v55 =	vadd.s32 v25, v53  }
0x221: {  	v56 =	vadd.s32 v25, v54;
	v37 =	vor.u32 v37, v55;
	v63 =	vmax.f32 v27, v28;
	v5 =	vld.idx.msk [tilespmem:v5+s8+$0x0], $0xffff  }
0x222: {  	v36 =	vor.u32 v36, v56;
	v9 =	vld.idx.msk [tilespmem:v9+s8+$0x0], $0xffff;
	v37 =	vor.u32 v1, v37;
	v40 =	vmax.f32 v63, v29  }
0x223: {  	v34 =	vor.u32 v34, v48;
	v36 =	vor.u32 v1, v36;
	v0 =	vld.idx.msk [tilespmem:v0+s8+$0x0], $0xffff;
	v38 =	vmax.f32 v40, v16  }
0x224: {  	v33 =	vor.u32 v33, v49;
	v35 =	vor.u32 v1, v35;
	v3 =	vld.idx.msk [tilespmem:v3+s8+$0x0], $0xffff;
	v38 =	vmax.f32 v38, v11  }
0x225: {  	v32 =	vor.u32 v32, v44;
	v34 =	vor.u32 v1, v34;
	v10 =	vld.idx.msk [tilespmem:v10+s8+$0x0], $0xffff;
	v38 =	vmax.f32 v38, v39  }
0x226: {  	v31 =	vor.u32 v31, v42;
	v33 =	vor.u32 v1, v33;
	v4 =	vld.idx.msk [tilespmem:v4+s8+$0x0], $0xffff;
	v38 =	vmax.f32 v38, v5  }
0x227: {  	v30 =	vor.u32 v30, v43;
	v32 =	vor.u32 v1, v32;
	v40 =	vld.idx.msk [tilespmem:v37+s8+$0x0], $0xffff;
	v41 =	vmax.f32 v38, v9  }
0x228: {  	v49 =	vadd.s32 $0x4, v24;
	v31 =	vor.u32 v1, v31;
	v44 =	vld.idx.msk [tilespmem:v36+s8+$0x0], $0xffff;
	v47 =	vmax.f32 v41, v0  }
0x229: {  	v30 =	vor.u32 v1, v30;
	v43 =	vld.idx.msk [tilespmem:v35+s8+$0x0], $0xffff;
	v45 =	vadd.s32 $0x3, v24;
	v48 =	vmax.f32 v47, v3  }
0x22a: {  	v42 =	vld.idx.msk [tilespmem:v34+s8+$0x0], $0xffff;
	v51 =	vshll.u32 v49, $0x3;
	v53 =	vadd.s32 $0x9, v24;
	v50 =	vmax.f32 v48, v10  }
0x22b: {  	v35 =	vand.u32 $0xFFFFFC00, v51;
	v55 =	vshll.u32 v53, $0x3;
	v41 =	vld.idx.msk [tilespmem:v33+s8+$0x0], $0xffff;
	v52 =	vmax.f32 v50, v4  }
0x22c: {  	v51 =	vand.u32 $0x7F, v53;
	v56 =	vadd.s32 v25, v35;
	v37 =	vld.idx.msk [tilespmem:v32+s8+$0x0], $0xffff;
	v54 =	vmax.f32 v52, v40  }
0x22d: {  	v36 =	vld.idx.msk [tilespmem:v31+s8+$0x0], $0xffff;
	v46 =	vand.u32 $0xFFFFFC00, v55;
	v33 =	vadd.s32 $0x2, v24;
	v63 =	vmax.f32 v54, v44  }
0x22e: {  	v35 =	vld.idx.msk [tilespmem:v30+s8+$0x0], $0xffff;
	v47 =	vand.u32 $0x7E, v49;
	v49 =	vadd.s32 v25, v46;
	v48 =	vmax.f32 v63, v43  }
0x22f: {  	v46 =	vadd.s32 $0x7, v24;
	v31 =	vor.u32 v51, v49;
	v30 =	vmax.f32 v48, v42  }
0x230: {  	v50 =	vor.u32 v47, v56;
	v31 =	vor.u32 v1, v31;
	v30 =	vmax.f32 v30, v41  }
0x231: {  	v53 =	vshll.u32 v33, $0x3;
	v52 =	vor.u32 v1, v50;
	v30 =	vmax.f32 v30, v37  }
0x232: {  	v38 =	vand.u32 $0xFFFFFC00, v53;
	v53 =	vadd.s32 $0x5, v24;
	v30 =	vmax.f32 v30, v36  }
0x233: {  	v47 =	vadd.s32 $0x8, v24;
	v56 =	vshll.u32 v45, $0x3;
	v32 =	vmax.f32 v30, v35  }
0x234: {  	v45 =	vand.u32 $0x7F, v45;
	v51 =	vshll.u32 v47, $0x3;
	v54 =	vsub.f32 v27, v32  }
0x235: {  	v49 =	vand.u32 $0xFFFFFC00, v56;
	v63 =	vshll.u32 v46, $0x3;
	v31 =	vld.idx.msk [tilespmem:v31+s8+$0x0], $0xffff;
	v55 =	vsub.f32 v28, v32  }
0x236: {  	v50 =	vand.u32 $0xFFFFFC00, v63;
	v30 =	vld.idx.msk [tilespmem:v52+s8+$0x0], $0xffff;
	v56 =	vsub.f32 v29, v32;
	v48 =	vmul.f32 $1.442695020e+00, v54  }
0x237: {  	v16 =	vsub.f32 v16, v32;
	v11 =	vsub.f32 v11, v32;
	v34 =	vmul.f32 $1.442695020e+00, v55  }
0x238: {  	v39 =	vsub.f32 v39, v32;
	v5 =	vsub.f32 v5, v32;
	(erf) = vpow2.f32 v48  }
0x239: {  	v9 =	vsub.f32 v9, v32;
	v63 =	vmul.f32 $1.442695020e+00, v56;
	(erf) = vpow2.f32 v34  }
0x23a: {  	v0 =	vsub.f32 v0, v32;
	v16 =	vmul.f32 $1.442695020e+00, v16;
	v11 =	vmul.f32 $1.442695020e+00, v11  }
0x23b: {  	v56 =	vand.u32 $0x7FFFFFFF, v30;
	(erf) = vpow2.f32 v63;
	v63 =	vand.u32 $0x7FFFFFFF, v31  }
0x23c: {  	v39 =	vmul.f32 $1.442695020e+00, v39;
	v52 =	vsub.f32 $0.0e+00, v56;
	v48 =	vsub.f32 $0.0e+00, v63  }
0x23d: {  	v3 =	vsub.f32 v3, v32;
	v5 =	vmul.f32 $1.442695020e+00, v5;
	(erf) = vpow2.f32 v16  }
0x23e: {  	v10 =	vsub.f32 v10, v32;
	v56 =	vmul.f32 $1.442695020e+00, v52;
	v48 =	vmul.f32 $1.442695020e+00, v48  }
0x23f: {  	v4 =	vsub.f32 v4, v32;
	v9 =	vmul.f32 $1.442695020e+00, v9;
	(erf) = vpow2.f32 v11  }
0x240: {  	v41 =	vsub.f32 v41, v32;
	v0 =	vmul.f32 $1.442695020e+00, v0;
	(erf) = vpow2.f32 v56  }
0x241: {  	v35 =	vsub.f32 v35, v32;
	v3 =	vmul.f32 $1.442695020e+00, v3;
	v63 =	vpop (erf);
	(erf) = vpow2.f32 v39  }
0x242: {  	v34 =	vand.u32 $0xFFFFFC00, v51;
	v11 =	vadd.s32 v25, v50;
	(erf) = vpow2.f32 v48;
	v48 =	vpop (erf)  }
0x243: {  	v50 =	vadd.s32 v25, v34;
	v34 =	vadd.f32 v48, v63;
	(erf) = vpow2.f32 v5  }
0x244: {  	v51 =	vadd.s32 v25, v38;
	v38 =	vadd.s32 $0x6, v24;
	v16 =	vadd.s32 v25, v49;
	v49 =	vpop (erf)  }
0x245: {  	v5 =	vand.u32 $0x7E, v33;
	(erf) = vpow2.f32 v9;
	v33 =	vadd.f32 v34, v49  }
0x246: {  	v10 =	vmul.f32 $1.442695020e+00, v10;
	v4 =	vmul.f32 $1.442695020e+00, v4;
	v48 =	vshll.u32 v38, $0x3;
	v52 =	vpop (erf)  }
0x247: {  	v9 =	vshll.u32 v53, $0x3;
	(erf) = vpow2.f32 v0;
	v33 =	vadd.f32 v33, v52  }
0x248: {  	v0 =	vand.u32 $0x7F, v46;
	v46 =	vand.u32 $0x7E, v47;
	v54 =	vpop (erf);
	v49 =	vsub.f32 v44, v32  }
0x249: {  	v9 =	vand.u32 $0xFFFFFC00, v9;
	v55 =	vpop (erf);
	(erf) = vpow2.f32 v3;
	v34 =	vadd.f32 v33, v54  }
0x24a: {  	v3 =	vor.u32 v5, v51;
	v5 =	vsub.f32 v40, v32;
	v33 =	vadd.f32 $1.000000000e+00, v55;
	v39 =	vpop (erf)  }
0x24b: {  	v52 =	vsub.f32 v43, v32;
	(erf) = vpow2.f32 v10;
	v39 =	vadd.f32 v34, v39;
	v56 =	vpop (erf)  }
0x24c: {  	v5 =	vmul.f32 $1.442695020e+00, v5;
	v55 =	vmul.f32 $1.442695020e+00, v49;
	v63 =	vand.u32 $0x7FFFFF, v33;
	v51 =	vpop (erf)  }
0x24d: {  	(erf) = vpow2.f32 v4;
	v44 =	vadd.f32 v39, v51;
	v39 =	vor.u32 $0x3F000000, v63  }
0x24e: {  	v34 =	vadd.f32 $1.000000000e+00, v56;
	v54 =	vpop (erf);
	(erf) = vpow2.f32 v5;
	v5 =	vadd.f32 $1.000000000e+00, v39  }
0x24f: {  	v0 =	vor.u32 v0, v11;
	v9 =	vadd.s32 v25, v9;
	v43 =	vadd.f32 v44, v54  }
0x250: {  	v10 =	vmul.f32 $1.442695020e+00, v52;
	v4 =	vand.u32 $0x7FFFFF, v34;
	v56 =	vpop (erf);
	(erf) = vpow2.f32 v55  }
0x251: {  	v40 =	vor.u32 $0x3F000000, v4;
	v4 =	vsub.f32 v42, v32;
	v42 =	vadd.f32 v43, v56  }
0x252: {  	v0 =	vor.u32 v1, v0;
	v63 =	vadd.f32 $1.000000000e+00, v40;
	(erf) = vrcp.f32 v5;
	v5 =	vpop (erf)  }
0x253: {  	v4 =	vmul.f32 $1.442695020e+00, v4;
	(erf) = vpow2.f32 v10;
	v5 =	vadd.f32 v42, v5  }
0x254: {  	v44 =	vor.u32 v45, v16;
	v45 =	vsub.f32 v37, v32;
	(erf) = vrcp.f32 v63;
	v47 =	vpop (erf)  }
0x255: {  	v49 =	vmul.f32 $1.442695020e+00, v41;
	(erf) = vpow2.f32 v4;
	v5 =	vadd.f32 v5, v47  }
0x256: {  	v51 =	vsub.f32 v36, v32;
	v16 =	vmul.f32 $1.442695020e+00, v45;
	v10 =	vor.u32 v1, v44;
	v52 =	vpop (erf)  }
0x257: {  	v44 =	vand.u32 $0x7F, v53;
	(erf) = vpow2.f32 v49;
	v5 =	vadd.f32 v5, v52  }
0x258: {  	v3 =	vor.u32 v1, v3;
	v11 =	vmul.f32 $1.442695020e+00, v51;
	v9 =	vor.u32 v44, v9;
	v55 =	vpop (erf)  }
0x259: {  	v9 =	vor.u32 v1, v9;
	(erf) = vpow2.f32 v16;
	v5 =	vadd.f32 v5, v55  }
0x25a: {  	v54 =	vand.u32 $0xFFFFFC00, v48;
	v37 =	vmul.f32 $1.442695020e+00, v35;
	v56 =	vand.u32 $0xFFFFFC00, v26;
	v63 =	vpop (erf);
	v55 =	vld [tilespmem:$0x1FFF0]  }
0x25b: {  	v4 =	vor.u32 v46, v50;
	(erf) = vpow2.f32 v11;
	v41 =	vpop (erf);
	v5 =	vadd.f32 v5, v63  }
0x25c: {  	v36 =	vld.idx.msk [tilespmem:v0+s8+$0x0], $0xffff;
	v45 =	vand.u32 $0x7E, v24;
	v4 =	vor.u32 v1, v4;
	v16 =	vadd.s32 v25, v56;
	v43 =	vpop (erf)  }
0x25d: {  	v24 =	vld.idx.msk [tilespmem:v3+s8+$0x0], $0xffff;
	v16 =	vor.u32 v45, v16;
	(erf) = vpow2.f32 v37;
	v11 =	vpop (erf);
	v5 =	vadd.f32 v5, v43  }
0x25e: {  	v3 =	vadd.s32 v25, v54;
	v49 =	vand.u32 $0x7E, v38;
	v47 =	vor.u32 v1, v16;
	v35 =	vld.idx.msk [tilespmem:v9+s8+$0x0], $0xffff;
	v46 =	vpop (erf)  }
0x25f: {  	v0 =	vor.u32 v49, v3;
	v16 =	vor.u32 v55, v16;
	v5 =	vadd.f32 v5, v46  }
0x260: {  	v0 =	vor.u32 v1, v0;
	v48 =	vpop (erf)  }
0x261: {  	v51 =	vmul.f32 v36, v2;
	v25 =	vld.idx.msk [tilespmem:v10+s8+$0x0], $0xffff;
	v5 =	vadd.f32 v5, v48  }
0x262: {  	v39 =	vadd.f32 $-1.000000000e+00, v39;
	v40 =	vadd.f32 $-1.000000000e+00, v40;
	v26 =	vld.idx.msk [tilespmem:v4+s8+$0x0], $0xffff;
	v3 =	vpop (erf)  }
0x263: {  	v38 =	vld.idx.msk [tilespmem:v47+s8+$0x0], $0xffff;
	v43 =	vsub.f32 v35, v51;
	v3 =	vadd.f32 v5, v3  }
0x264: {  	v10 =	vadd.f32 v51, v35;
	v4 =	vpop (erf);
	v5 =	vsub.f32 $0.0e+00, v23;
	v37 =	vld.idx.msk [tilespmem:v16+s8+$0x0], $0xffff  }
0x265: {  	v16 =	vadd.f32 $0.0e+00, v23;
	v23 =	vld.idx.msk [tilespmem:v0+s8+$0x0], $0xffff;
	v3 =	vadd.f32 v3, v4  }
0x266: {  	v51 =	vsub.f32 v10, v43;
	v0 =	vsub.f32 $0.0e+00, v22;
	v50 =	vpop (erf);
	v4 =	vmul.f32 v24, v2  }
0x267: {  	v52 =	vmul.f32 v25, v2;
	v22 =	vadd.f32 $0.0e+00, v22;
	v3 =	vadd.f32 v3, v50  }
0x268: {  	v54 =	vmul.f32 v26, v2;
	v42 =	vsub.f32 v16, v5;
	v45 =	vsub.f32 v38, v4  }
0x269: {  	v4 =	vadd.f32 v4, v38;
	v48 =	vsub.f32 v37, v52;
	v53 =	vand.u32 $0x7FFFFF, v3  }
0x26a: {  	v9 =	vadd.f32 v52, v37;
	v49 =	vsub.f32 v23, v54;
	v44 =	vor.u32 $0x3F000000, v53  }
0x26b: {  	v46 =	vadd.f32 v54, v23;
	v56 =	vadd.f32 $1.000000000e+00, v44  }
0x26c: {  	v39 =	vmul.f32 v41, v39;
	v47 =	vsub.f32 v4, v45;
	v63 =	vsub.f32 v9, v48  }
0x26d: {  	v3 =	vshrl.u32 v3, $0x17;
	v53 =	vmax.f32 v45, v5;
	(erf) = vrcp.f32 v56  }
0x26e: {  	v54 =	vmax.f32 v48, v0;
	v47 =	vmul.f32 v63, v47;
	v63 =	vmin.f32 v4, v16  }
0x26f: {  	v5 =	vmax.f32 v43, v5;
	v50 =	vsub.f32 v63, v53;
	v56 =	vmin.f32 v9, v22  }
0x270: {  	v16 =	vmin.f32 v10, v16;
	v53 =	vsub.f32 v56, v54;
	v54 =	vsub.f32 v22, v0  }
0x271: {  	v5 =	vsub.f32 v16, v5;
	v63 =	vmin.f32 v46, v22;
	v0 =	vmax.f32 v49, v0  }
0x272: {  	v52 =	vsub.f32 v46, v49;
	v0 =	vsub.f32 v63, v0;
	v42 =	vmul.f32 v54, v42  }
0x273: {  	v5 =	vmax.f32 v5, $0.0e+00;
	v54 =	vmax.f32 v50, $0.0e+00;
	v56 =	vmax.f32 v53, $0.0e+00  }
0x274: {  	v22 =	vmul.f32 v52, v51;
	v16 =	vmul.f32 v56, v54;
	v63 =	vadd.f32 v47, v42  }
0x275: {  	v3 =	vand.u32 $0xFF, v3;
	v44 =	vadd.f32 $-1.000000000e+00, v44;
	v0 =	vmax.f32 v0, $0.0e+00  }
0x276: {  	v42 =	vadd.f32 v22, v42;
	v0 =	vmul.f32 v0, v5;
	v50 =	vsub.f32 v63, v16;
	v5 =	vpop (erf)  }
0x277: {  	v11 =	vmul.f32 v11, v40;
	v3 =	vadd.s32 $0xFFFFFF82, v3;
	v5 =	vmul.f32 v5, v44  }
0x278: {  	v3 =	vcvt.s32.f32 v3;
	v42 =	vsub.f32 v42, v0;
	(erf) = vrcp.f32 v50  }
0x279: {  	v53 =	vmul.f32 v19, v2;
	v44 =	vmul.f32 v5, v5  }
0x27a: {  	v34 =	vshrl.u32 v34, $0x17;
	v50 =	vmul.f32 v39, v39;
	(erf) = vrcp.f32 v42  }
0x27b: {  	v23 =	vmul.f32 v23, v23;
	v63 =	vsub.f32 v18, v53;
	v52 =	vmul.f32 $1.111111120e-01, v44  }
0x27c: {  	v3 =	vmul.f32 $6.931471820e-01, v3;
	v42 =	vadd.f32 v53, v18;
	v56 =	vmul.f32 $1.111111120e-01, v50  }
0x27d: {  	v43 =	vmax.f32 v43, v63;
	v41 =	vmax.f32 v45, v63;
	v54 =	vadd.f32 $1.428571490e-01, v52  }
0x27e: {  	v21 =	vld.idx.msk [tilespmem:v21+s14+$0x0], $0xffff;
	v53 =	vsub.f32 v42, v63;
	v10 =	vmin.f32 v10, v42;
	v51 =	vadd.f32 $1.428571490e-01, v56  }
0x27f: {  	v4 =	vmin.f32 v4, v42;
	v52 =	vmul.f32 v11, v11;
	v40 =	vmul.f32 v54, v44  }
0x280: {  	v5 =	vadd.f32 v5, v5;
	v4 =	vsub.f32 v4, v41;
	v51 =	vmul.f32 v51, v50  }
0x281: {  	v42 =	vsub.f32 v26, v17;
	v63 =	vpop (erf);
	v56 =	vmul.f32 $1.111111120e-01, v52;
	v40 =	vadd.f32 $2.000000030e-01, v40  }
0x282: {  	v4 =	vmax.f32 v4, $0.0e+00;
	v16 =	vmul.f32 v63, v16;
	v63 =	vadd.f32 $2.000000030e-01, v51  }
0x283: {  	v54 =	vpop (erf);
	v51 =	vadd.f32 $1.428571490e-01, v56;
	v56 =	vtrunc.f32 v21;
	v40 =	vmul.f32 v40, v44  }
0x284: {  	v11 =	vadd.f32 v11, v11;
	v0 =	vmul.f32 v54, v0;
	v54 =	vmul.f32 v63, v50  }
0x285: {  	v41 =	vcvt.f32.s32 v56;
	v63 =	vmul.f32 v21, v2;
	v45 =	vadd.f32 $3.333333430e-01, v40  }
0x286: {  	v21 =	vsub.f32 v25, v21;
	vm0 =	vgt.f32 v0, v16;
	v0 =	vsub.f32 v10, v43  }
0x287: {  	vm1 =	veq.s32 v41, $0x0;
	vm2 =	veq.s32 v41, $0x1;
	v10 =	vmul.f32 v45, v44  }
0x288: {  	v16 =	vmul.f32 v51, v52;
	v51 =	vadd.f32 v39, v39;
	v41 =	vsub.f32 v24, v19  }
0x289: {  	v43 =	vld.idx.msk [tilespmem:v20+s15+$0x0], $0xffff;
	v39 =	vmul.f32 v35, v35;
	v40 =	vadd.f32 $3.333333430e-01, v54;
	v10 =	vadd.f32 $1.000000000e+00, v10  }
0x28a: {  	v16 =	vadd.f32 $2.000000030e-01, v16;
	v0 =	vmax.f32 v0, $0.0e+00;
	v44 =	vsel vm2, v28, v29  }
0x28b: {  	v40 =	vmul.f32 v40, v50;
	v20 =	vsel vm1, v27, v44;
	v5 =	vmul.f32 v10, v5  }
0x28c: {  	v45 =	vsub.f32 v17, v63;
	v16 =	vmul.f32 v16, v52;
	v20 =	vsub.f32 v20, v32  }
0x28d: {  	s20 =	sshrl.u32 s20, $0x1;
	v44 =	vmul.f32 v31, v19;
	v3 =	vadd.f32 v5, v3;
	v5 =	vadd.f32 v63, v17  }
0x28e: {  	v48 =	vmax.f32 v48, v45;
	v49 =	vmax.f32 v49, v45;
	vm13 =	veq.s32 v43, s20  }
0x28f: {  	v54 =	vadd.f32 $1.000000000e+00, v40;
	v9 =	vmin.f32 v9, v5;
	v28 =	vsub.f32 v5, v45  }
0x290: {  	v32 =	vsub.f32 v36, v18;
	v5 =	vmin.f32 v46, v5;
	v9 =	vsub.f32 v9, v48  }
0x291: {  	v36 =	vsub.f32 v37, v17;
	v5 =	vsub.f32 v5, v49;
	v50 =	vmul.f32 v28, v53  }
0x292: {  	v40 =	vadd.f32 v23, v39;
	v16 =	vadd.f32 $3.333333430e-01, v16;
	v9 =	vmax.f32 v9, $0.0e+00  }
0x293: {  	v5 =	vmax.f32 v5, $0.0e+00;
	v4 =	vmul.f32 v9, v4;
	v53 =	vadd.f32 v47, v50  }
0x294: {  	v56 =	vmul.f32 v54, v51;
	v0 =	vmul.f32 v5, v0;
	v10 =	vadd.f32 v22, v50  }
0x295: {  	v51 =	vmul.f32 v58, v13;
	v54 =	vmul.f32 v13, v57;
	v5 =	vsub.f32 v53, v4  }
0x296: {  	v16 =	vmul.f32 v16, v52;
	v52 =	vmul.f32 v12, v59;
	v10 =	vsub.f32 v10, v0  }
0x297: {  	v63 =	vsub.f32 v38, v18;
	v38 =	vmul.f32 v36, v36;
	(erf) = vrcp.f32 v5  }
0x298: {  	v18 =	vmul.f32 v32, v32;
	v16 =	vadd.f32 $1.000000000e+00, v16;
	(erf) = vrcp.f32 v10  }
0x299: {  	v3 =	vsub.f32 v3, v20;
	v20 =	vmul.f32 v63, v63;
	v46 =	vmax.f32 v30, $0.0e+00  }
0x29a: {  	v11 =	vmul.f32 v16, v11;
	v16 =	vadd.f32 v18, v40;
	v19 =	vsub.f32 v46, v30  }
0x29b: {  	v48 =	vmul.f32 v21, v21;
	v22 =	vand.u32 $0xFF, v34;
	v5 =	vshrl.u32 v33, $0x17  }
0x29c: {  	v9 =	vsel vm13, $0x3F800000, v61;
	v37 =	vadd.s32 $0xFFFFFF82, v22;
	v5 =	vand.u32 $0xFF, v5  }
0x29d: {  	v3 =	vmul.f32 v3, v9;
	v10 =	vcvt.s32.f32 v37;
	v5 =	vadd.s32 $0xFFFFFF82, v5  }
0x29e: {  	v20 =	vadd.f32 v38, v20;
	v22 =	vmul.f32 v41, v41;
	v5 =	vcvt.s32.f32 v5  }
0x29f: {  	v53 =	vadd.f32 v51, v62;
	v3 =	vadd.f32 v3, v8;
	v10 =	vmul.f32 $6.931471820e-01, v10  }
0x2a0: {  	v45 =	vadd.f32 v22, v20;
	v8 =	vadd.f32 v54, v52;
	v5 =	vmul.f32 $6.931471820e-01, v5;
	v47 =	vpop (erf)  }
0x2a1: {  	v50 =	vmax.f32 v31, $0.0e+00;
	v6 =	vadd.f32 v53, v6;
	v43 =	vadd.f32 v11, v10;
	v49 =	vpop (erf)  }
0x2a2: {  	v5 =	vadd.f32 v56, v5;
	v4 =	vmul.f32 v47, v4;
	v0 =	vmul.f32 v49, v0  }
0x2a3: {  	v17 =	vmul.f32 v42, v42;
	v10 =	vsub.f32 v50, v44;
	v11 =	vadd.f32 v48, v45  }
0x2a4: {  	v56 =	vadd.f32 v13, v12;
	vm14 =	vgt.f32 v0, v4;
	v4 =	vadd.f32 v5, v19  }
0x2a5: {  	v5 =	vadd.f32 v43, v10;
	vm15 =	vmand vm14, vm0;
	vm0 =	vmor vm14, vm0  }
0x2a6: {  	v0 =	vadd.f32 v17, v16;
	v57 =	vsel vm15, $0x0, v9;
	v58 =	vnsel vm0, $0x0, v9  }
0x2a7: {  	v62 =	vadd.f32 v56, v15;
	v4 =	vmul.f32 v4, v57;
	v5 =	vmul.f32 v5, v58  }
0x2a8: {  	v59 =	vmul.f32 v57, v11;
	v0 =	vmul.f32 v58, v0;
	v63 =	vadd.f32 v58, v57  }
0x2a9: {  	v4 =	vadd.f32 v5, v4;
	v5 =	vadd.f32 v8, v14  }
0x2aa: {  	[tilespmem:$0x10780] =	vst v3;
	v0 =	vadd.f32 v0, v59;
	v3 =	vadd.f32 v63, v62  }
0x2ab: {  	v4 =	vadd.f32 v4, v6  }
0x2ac: {  	v0 =	vadd.f32 v0, v5;
	[tilespmem:$0x10900] =	vst v3  }
0x2ad: {  	s19 =	sadd.s32 $0x1, s19;
	[tilespmem:$0x10800] =	vst v4;
	v4 =	vadd.f32 v9, v7  }
0x2ae: {  	p0 =	sne.s32 s19, s7;
	[tilespmem:$0x10880] =	vst v0  }
.Ltmp3:
0x2af: {  	[tilespmem:$0x10980] =	vst v4;
	(pc) =	sbr.rel @p0 .LBB2_1-.Ltmp3, $4  }
0x2b0: {  	[hbm4b:s6+s2] =	stream.linear.scatter [tilespmem:s17], [sflag:$0x3], $0x280, $0x38;
	[tilespmem:$0x10B80] =	vst v63  }
0x2b1: {  	_ =	swait.ge [sflag:s18], $0x280  }
0x2b2: {  	[sflag:s18] =	ssyncset.done $0x0  }
0x2b3: {  	v3 =	vmov v55;
	v0 =	vld [tilespmem:$0x1FFE0];
	[sflag:s18] =	ssyncadd.s32 $0xFFFFFD80  }
0x2b4: {  	_ =	sfence.sel $0x180000  }
0x2b5: {  	[bflag:$0x0] =	sbarrier.arrive $0xFFFF  }
0x2b6: {  	p0 =	sne.s32 s1, $0x0;
	_ =	strace $0x90000047  }
0x2b7: {  	s0 =	sadd.s32 @!p0 $0x100000, s0;
	[bflag:$0x2] =	sbarrier.arrive $0xFFFF  }
0x2b8: {  	[sflag:s0] =	ssyncadd.tile.s32 @!p0 $0x1;
	_ =	shalt  }
.Lfunc_end2:
_tile_overlayer_lowered:
.L_overlay_start_2:
0x2b9: {  	(tag) =	ssettag $0x2  }
0x2ba: {  	s0 =	rddreg [dreg:$0x0];
	s2 =	stileid.u32  }
0x2bb: {  	s1 =	rddreg [dreg:$0x1];
	p0 =	sne.s32 s2, $0x0  }
0x2bc: {  	s3 =	rddreg [dreg:$0x2];
	[bflag:$0x3] =	sbarrier.arrive $0xFFFF;
	s2 =	simm.s32 @!p0 $0x1C03  }
0x2bd: {  	[timem:s3], [sflag:s2] =	dma.local @!p0 [hbm:s0], s1  }
0x2be: {  	s0 =	simm.s32 @!p0 $0x3  }
0x2bf: {  	_ =	swait.ge @!p0 [sflag:s0], s1  }
0x2c0: {  	s1 =	ssub.s32 @!p0 $0x0, s1;
	[sflag:s0] =	ssyncset.done @!p0 $0x0  }
0x2c1: {  	[sflag:s0] =	ssyncadd.s32 @!p0 s1  }
0x2c2: {  	[bflag:$0x3] =	sbarrier.arrive $0xFFFF  }
0x2c3: {  	_ =	shalt  }

</sc_bundles>
